<compile_context>
chip_gen: v7x
topology: tpu7x:2x2x1
jax: 0.10.2.dev20260603
libtpu: 0.0.44.dev20260713+nightly
codegen_flags: <defaults>
</compile_context>

<pallas_src>
import jax
import jax.numpy as jnp
from jax.experimental import pallas as pl
from jax.experimental.pallas import tpu as pltpu
from jax.experimental.pallas import tpu_sc as plsc

_LANES = 16


def kernel(x, emb_table):
    B, S, D = x.shape
    pos = emb_table[:S]
    S_BLK = 4
    grid = (S // S_BLK,)
    buf_x = pl.Buffered(buffer_count=5)
    buf_e = pl.Buffered(buffer_count=3)

    vector_mesh = plsc.VectorSubcoreMesh(
        core_axis_name="core", subcore_axis_name="subcore"
    )

    @pl.kernel(out_type=jax.ShapeDtypeStruct((B, S, D), x.dtype),
               mesh=vector_mesh)
    def sc_add(x_hbm, emb_hbm, o_hbm):
        def body(x_vmem, emb_vmem, o_vmem):
            @pl.loop(0, S_BLK)
            def _(r):
                @plsc.parallel_loop(0, D, step=_LANES, unroll=8)
                def _(c):
                    e = emb_vmem.at[r, pl.ds(c, _LANES)][...]
                    for b in range(B):
                        o_vmem.at[b, r, pl.ds(c, _LANES)][...] = (
                            x_vmem.at[b, r, pl.ds(c, _LANES)][...] + e
                        )

        pltpu.emit_pipeline(
            body,
            grid=grid,
            in_specs=[
                pl.BlockSpec((B, S_BLK, D), lambda i: (0, i, 0),
                             pipeline_mode=buf_x),
                pl.BlockSpec((S_BLK, D), lambda i: (i, 0),
                             pipeline_mode=buf_e),
            ],
            out_specs=[pl.BlockSpec((B, S_BLK, D), lambda i: (0, i, 0))],
            core_axis_name=("core", "subcore"),
            dimension_semantics=(pltpu.PARALLEL,),
        )(x_hbm, emb_hbm, o_hbm)

    return sc_add(x, pos)

# --- scband reference (transcript-rebuilt; emitter-appended) ---
"""Pipeline reference for scband-positional-encoding-26654567039020 (READ-ONLY COPY).

The authoritative reference and input builder live on the scoring server;
editing this copy changes nothing except your own understanding.
"""

import jax, jax.numpy as jnp
import numpy as np

D_MODEL = 1024
NUM_POSITIONS = 4096
BATCH = 4
SEQ_LEN = 4096


def setup_inputs(seed: int = 0) -> dict:
    key = jax.random.key(seed)
    k1, k2 = jax.random.split(key)
    x = jax.random.normal(k1, (BATCH, SEQ_LEN, D_MODEL), dtype=jnp.float32)
    # nn.Embedding default init: N(0, 1)
    emb_table = jax.random.normal(k2, (NUM_POSITIONS, D_MODEL), dtype=jnp.float32)
    return {"x": x, "emb_table": emb_table}


def reference(x, emb_table):
    # input_size = x.shape[-2]; gather position embeddings [S, D]
    input_size = x.shape[-2]
    indices_to_embed = jnp.arange(input_size, dtype=jnp.int32)
    pos_emb = jnp.take(emb_table, indices_to_embed, axis=0)  # [S, D]
    # batched=True: unsqueeze(0) then broadcast-add
    out = x + pos_emb[None, :, :]
    # Dropout(0.1) is identity in eval mode
    return out

if __name__ == "__main__":
    import jax
    _d = setup_inputs()
    print(jax.jit(kernel)(*tuple(_d.values())))

</pallas_src>

<mosaic_0001>
#map = affine_map<(d0, d1) -> (0, 0, 0)>
#map1 = affine_map<(d0, d1) -> (0, 0)>
module attributes {stable_mosaic.version = 14 : i64} {
  func.func @sc_add(%arg0: i32, %arg1: i32, %arg2: memref<4x4096x1024xf32, #tpu.memory_space<hbm>>, %arg3: memref<4096x1024xf32, #tpu.memory_space<hbm>>, %arg4: memref<4x4096x1024xf32, #tpu.memory_space<hbm>>) attributes {dimension_semantics = [#tpu.dimension_semantics<core_parallel>, #tpu.dimension_semantics<subcore_parallel>], iteration_bounds = array<i64: 2, 16>, scalar_prefetch = 0 : i64, scratch_operands = 0 : i64, tpu.core_type = #tpu.core_type<sc_vector_subcore>, window_params = [{transform_indices = #map}, {transform_indices = #map1}, {transform_indices = #map}]} {
    %mul3A = arith.constant 1 : i32
    %mul3A_0 = arith.muli %arg1, %mul3A : i32
    %add3A = arith.constant 0 : i32
    %add3A_1 = arith.addi %add3A, %mul3A_0 : i32
    %mul3A_2 = arith.constant 16 : i32
    %mul3A_3 = arith.muli %arg0, %mul3A_2 : i32
    %add3A_4 = arith.addi %add3A_1, %mul3A_3 : i32
    %mul3A_5 = arith.constant 32 : i32
    %mul3A_6 = arith.muli %add3A_4, %mul3A_5 : i32
    "tpu.region"() ({
      %run_scoped3A = memref.alloca() : memref<5x4x4x1024xf32, #tpu.memory_space<vmem>>
      %run_scoped3A_7 = tpu.sem_alloc : memref<5x!tpu.dma_semaphore, #tpu.memory_space<semaphore_mem>>
      %run_scoped3A_8 = memref.alloca() : memref<3x4x1024xf32, #tpu.memory_space<vmem>>
      %run_scoped3A_9 = tpu.sem_alloc : memref<3x!tpu.dma_semaphore, #tpu.memory_space<semaphore_mem>>
      %run_scoped3A_10 = memref.alloca() : memref<2x4x4x1024xf32, #tpu.memory_space<vmem>>
      %run_scoped3A_11 = tpu.sem_alloc : memref<2x!tpu.dma_semaphore, #tpu.memory_space<semaphore_mem>>
      %add3A_12 = arith.constant 0 : i32
      %add3A_13 = arith.addi %add3A_12, %mul3A_6 : i32
      %select_n3A = arith.constant true
      %select_n3A_14 = arith.constant 0 : i32
      %select_n3A_15 = arith.constant -1 : i32
      %select_n3A_16 = arith.select %select_n3A, %select_n3A_15, %select_n3A_14 : i32
      %eq3A = arith.constant -1 : i32
      %eq3A_17 = arith.cmpi eq, %select_n3A_16, %eq3A : i32
      %select_n3A_18 = arith.constant 31 : i32
      %select_n3A_19 = arith.select %eq3A_17, %select_n3A_18, %select_n3A_16 : i32
      %add3A_20 = arith.addi %select_n3A_19, %mul3A_6 : i32
      %select_n3A_21 = arith.constant true
      %select_n3A_22 = arith.constant 0 : i32
      %select_n3A_23 = arith.constant 1 : i32
      %select_n3A_24 = arith.select %select_n3A_21, %select_n3A_23, %select_n3A_22 : i32
      %eq3A_25 = arith.constant 32 : i32
      %eq3A_26 = arith.cmpi eq, %select_n3A_24, %eq3A_25 : i32
      %select_n3A_27 = arith.constant 0 : i32
      %select_n3A_28 = arith.select %eq3A_26, %select_n3A_27, %select_n3A_24 : i32
      %add3A_29 = arith.addi %select_n3A_28, %mul3A_6 : i32
      %add3A_30 = arith.constant 1 : i32
      %add3A_31 = arith.addi %select_n3A_28, %add3A_30 : i32
      %select_n3A_32 = arith.constant true
      %select_n3A_33 = arith.select %select_n3A_32, %add3A_31, %select_n3A_28 : i32
      %eq3A_34 = arith.constant 32 : i32
      %eq3A_35 = arith.cmpi eq, %select_n3A_33, %eq3A_34 : i32
      %select_n3A_36 = arith.constant 0 : i32
      %select_n3A_37 = arith.select %eq3A_35, %select_n3A_36, %select_n3A_33 : i32
      %add3A_38 = arith.addi %select_n3A_37, %mul3A_6 : i32
      %add3A_39 = arith.constant 1 : i32
      %add3A_40 = arith.addi %select_n3A_37, %add3A_39 : i32
      %select_n3A_41 = arith.constant true
      %select_n3A_42 = arith.select %select_n3A_41, %add3A_40, %select_n3A_37 : i32
      %eq3A_43 = arith.constant 32 : i32
      %eq3A_44 = arith.cmpi eq, %select_n3A_42, %eq3A_43 : i32
      %select_n3A_45 = arith.constant 0 : i32
      %select_n3A_46 = arith.select %eq3A_44, %select_n3A_45, %select_n3A_42 : i32
      %add3A_47 = arith.addi %select_n3A_46, %mul3A_6 : i32
      %add3A_48 = arith.constant 1 : i32
      %add3A_49 = arith.addi %select_n3A_46, %add3A_48 : i32
      %select_n3A_50 = arith.constant true
      %select_n3A_51 = arith.select %select_n3A_50, %add3A_49, %select_n3A_46 : i32
      %eq3A_52 = arith.constant 32 : i32
      %eq3A_53 = arith.cmpi eq, %select_n3A_51, %eq3A_52 : i32
      %select_n3A_54 = arith.constant 0 : i32
      %select_n3A_55 = arith.select %eq3A_53, %select_n3A_54, %select_n3A_51 : i32
      %add3A_56 = arith.addi %select_n3A_55, %mul3A_6 : i32
      %add3A_57 = arith.constant 1 : i32
      %add3A_58 = arith.addi %select_n3A_55, %add3A_57 : i32
      %select_n3A_59 = arith.constant true
      %select_n3A_60 = arith.select %select_n3A_59, %add3A_58, %select_n3A_55 : i32
      %eq3A_61 = arith.constant 32 : i32
      %eq3A_62 = arith.cmpi eq, %select_n3A_60, %eq3A_61 : i32
      %select_n3A_63 = arith.constant 0 : i32
      %select_n3A_64 = arith.select %eq3A_62, %select_n3A_63, %select_n3A_60 : i32
      %add3A_65 = arith.addi %select_n3A_64, %mul3A_6 : i32
      "tpu.trace_start"() <{level = 10 : i32, message = "ep_initialize_0"}> : () -> ()
      %rem3A = arith.constant 0 : i32
      %rem3A_66 = arith.constant 5 : i32
      %rem3A_67 = arith.remui %rem3A, %rem3A_66 : i32
      %mul3A_68 = arith.constant 4 : i32
      %mul3A_69 = arith.muli %mul3A_68, %add3A_13 : i32
      %dma_start3A = arith.constant 0 : i32
      %dma_start3A_70 = arith.constant 0 : i32
      %dma_start3A_71 = arith.constant 0 : i32
      %dma_start3A_72 = tpu.memref_slice %run_scoped3A[%rem3A_67, %dma_start3A, %dma_start3A_70, %dma_start3A_71] : memref<5x4x4x1024xf32, #tpu.memory_space<vmem>> -> memref<1x4x4x1024xf32, #tpu.memory_space<vmem>>
      %dma_start3A_73 = tpu.memref_squeeze %dma_start3A_72 : memref<1x4x4x1024xf32, #tpu.memory_space<vmem>> -> memref<4x4x1024xf32, #tpu.memory_space<vmem>>
      %dma_start3A_74 = arith.constant 0 : i32
      %dma_start3A_75 = arith.constant 0 : i32
      %dma_start3A_76 = tpu.memref_slice %arg2[%dma_start3A_74, %mul3A_69, %dma_start3A_75] : memref<4x4096x1024xf32, #tpu.memory_space<hbm>> -> memref<4x4x1024xf32, #tpu.memory_space<hbm>>
      %dma_start3A_77 = tpu.memref_slice %run_scoped3A_7[%rem3A_67] : memref<5x!tpu.dma_semaphore, #tpu.memory_space<semaphore_mem>> -> memref<1x!tpu.dma_semaphore, #tpu.memory_space<semaphore_mem>>
      %dma_start3A_78 = tpu.memref_squeeze %dma_start3A_77 : memref<1x!tpu.dma_semaphore, #tpu.memory_space<semaphore_mem>> -> memref<!tpu.dma_semaphore, #tpu.memory_space<semaphore_mem>>
      %dma_start3A_79 = arith.constant 0 : i32
      %dma_start3A_80 = arith.constant 0 : i32
      %dma_start3A_81 = arith.constant 0 : i32
      %dma_start3A_82 = tpu.memref_slice %run_scoped3A[%rem3A_67, %dma_start3A_79, %dma_start3A_80, %dma_start3A_81] : memref<5x4x4x1024xf32, #tpu.memory_space<vmem>> -> memref<1x4x4x1024xf32, #tpu.memory_space<vmem>>
      %dma_start3A_83 = tpu.memref_squeeze %dma_start3A_82 : memref<1x4x4x1024xf32, #tpu.memory_space<vmem>> -> memref<4x4x1024xf32, #tpu.memory_space<vmem>>
      %dma_start3A_84 = arith.constant 0 : i32
      %dma_start3A_85 = arith.constant 0 : i32
      %dma_start3A_86 = tpu.memref_slice %arg2[%dma_start3A_84, %mul3A_69, %dma_start3A_85] : memref<4x4096x1024xf32, #tpu.memory_space<hbm>> -> memref<4x4x1024xf32, #tpu.memory_space<hbm>>
      tpu.enqueue_dma source(%dma_start3A_86 : memref<4x4x1024xf32, #tpu.memory_space<hbm>>) target(%dma_start3A_83 : memref<4x4x1024xf32, #tpu.memory_space<vmem>>) target_semaphore(%dma_start3A_78 : memref<!tpu.dma_semaphore, #tpu.memory_space<semaphore_mem>>)
      %add3A_87 = arith.constant 0 : i32
      %add3A_88 = arith.constant 1 : i32
      %add3A_89 = arith.addi %add3A_87, %add3A_88 : i32
      %select_n3A_90 = arith.constant true
      %select_n3A_91 = arith.constant 0 : i32
      %select_n3A_92 = arith.select %select_n3A_90, %add3A_89, %select_n3A_91 : i32
      %rem3A_93 = arith.constant 0 : i32
      %rem3A_94 = arith.constant 3 : i32
      %rem3A_95 = arith.remui %rem3A_93, %rem3A_94 : i32
      %mul3A_96 = arith.constant 4 : i32
      %mul3A_97 = arith.muli %mul3A_96, %add3A_13 : i32
      %dma_start3A_98 = arith.constant 0 : i32
      %dma_start3A_99 = arith.constant 0 : i32
      %dma_start3A_100 = tpu.memref_slice %run_scoped3A_8[%rem3A_95, %dma_start3A_98, %dma_start3A_99] : memref<3x4x1024xf32, #tpu.memory_space<vmem>> -> memref<1x4x1024xf32, #tpu.memory_space<vmem>>
      %dma_start3A_101 = tpu.memref_squeeze %dma_start3A_100 : memref<1x4x1024xf32, #tpu.memory_space<vmem>> -> memref<4x1024xf32, #tpu.memory_space<vmem>>
      %dma_start3A_102 = arith.constant 0 : i32
      %dma_start3A_103 = tpu.memref_slice %arg3[%mul3A_97, %dma_start3A_102] : memref<4096x1024xf32, #tpu.memory_space<hbm>> -> memref<4x1024xf32, #tpu.memory_space<hbm>>
      %dma_start3A_104 = tpu.memref_slice %run_scoped3A_9[%rem3A_95] : memref<3x!tpu.dma_semaphore, #tpu.memory_space<semaphore_mem>> -> memref<1x!tpu.dma_semaphore, #tpu.memory_space<semaphore_mem>>
      %dma_start3A_105 = tpu.memref_squeeze %dma_start3A_104 : memref<1x!tpu.dma_semaphore, #tpu.memory_space<semaphore_mem>> -> memref<!tpu.dma_semaphore, #tpu.memory_space<semaphore_mem>>
      %dma_start3A_106 = arith.constant 0 : i32
      %dma_start3A_107 = arith.constant 0 : i32
      %dma_start3A_108 = tpu.memref_slice %run_scoped3A_8[%rem3A_95, %dma_start3A_106, %dma_start3A_107] : memref<3x4x1024xf32, #tpu.memory_space<vmem>> -> memref<1x4x1024xf32, #tpu.memory_space<vmem>>
      %dma_start3A_109 = tpu.memref_squeeze %dma_start3A_108 : memref<1x4x1024xf32, #tpu.memory_space<vmem>> -> memref<4x1024xf32, #tpu.memory_space<vmem>>
      %dma_start3A_110 = arith.constant 0 : i32
      %dma_start3A_111 = tpu.memref_slice %arg3[%mul3A_97, %dma_start3A_110] : memref<4096x1024xf32, #tpu.memory_space<hbm>> -> memref<4x1024xf32, #tpu.memory_space<hbm>>
      tpu.enqueue_dma source(%dma_start3A_111 : memref<4x1024xf32, #tpu.memory_space<hbm>>) target(%dma_start3A_109 : memref<4x1024xf32, #tpu.memory_space<vmem>>) target_semaphore(%dma_start3A_105 : memref<!tpu.dma_semaphore, #tpu.memory_space<semaphore_mem>>)
      %add3A_112 = arith.constant 0 : i32
      %add3A_113 = arith.constant 1 : i32
      %add3A_114 = arith.addi %add3A_112, %add3A_113 : i32
      %select_n3A_115 = arith.constant true
      %select_n3A_116 = arith.constant 0 : i32
      %select_n3A_117 = arith.select %select_n3A_115, %add3A_114, %select_n3A_116 : i32
      "tpu.trace_stop"() : () -> ()
      "tpu.trace_start"() <{level = 10 : i32, message = "ep_initialize_1"}> : () -> ()
      %ne3A = arith.cmpi ne, %add3A_29, %add3A_13 : i32
      %or3A = arith.constant false
      %or3A_118 = arith.ori %or3A, %ne3A : i1
      %or3A_119 = arith.constant false
      %or3A_120 = arith.ori %or3A_118, %or3A_119 : i1
      %and3A = arith.constant true
      %and3A_121 = arith.andi %and3A, %or3A_120 : i1
      %convert_element_type3A = arith.extui %and3A_121 : i1 to i32
      %cond3A = arith.constant 0 : i32
      %cond3A_122 = arith.cmpi ne, %convert_element_type3A, %cond3A : i32
      scf.if %cond3A_122 {
        %rem3A_258 = arith.constant 5 : i32
        %rem3A_259 = arith.remui %select_n3A_92, %rem3A_258 : i32
        %mul3A_260 = arith.constant 4 : i32
        %mul3A_261 = arith.muli %mul3A_260, %add3A_29 : i32
        %dma_start3A_262 = arith.constant 0 : i32
        %dma_start3A_263 = arith.constant 0 : i32
        %dma_start3A_264 = arith.constant 0 : i32
        %dma_start3A_265 = tpu.memref_slice %run_scoped3A[%rem3A_259, %dma_start3A_262, %dma_start3A_263, %dma_start3A_264] : memref<5x4x4x1024xf32, #tpu.memory_space<vmem>> -> memref<1x4x4x1024xf32, #tpu.memory_space<vmem>>
        %dma_start3A_266 = tpu.memref_squeeze %dma_start3A_265 : memref<1x4x4x1024xf32, #tpu.memory_space<vmem>> -> memref<4x4x1024xf32, #tpu.memory_space<vmem>>
        %dma_start3A_267 = arith.constant 0 : i32
        %dma_start3A_268 = arith.constant 0 : i32
        %dma_start3A_269 = tpu.memref_slice %arg2[%dma_start3A_267, %mul3A_261, %dma_start3A_268] : memref<4x4096x1024xf32, #tpu.memory_space<hbm>> -> memref<4x4x1024xf32, #tpu.memory_space<hbm>>
        %dma_start3A_270 = tpu.memref_slice %run_scoped3A_7[%rem3A_259] : memref<5x!tpu.dma_semaphore, #tpu.memory_space<semaphore_mem>> -> memref<1x!tpu.dma_semaphore, #tpu.memory_space<semaphore_mem>>
        %dma_start3A_271 = tpu.memref_squeeze %dma_start3A_270 : memref<1x!tpu.dma_semaphore, #tpu.memory_space<semaphore_mem>> -> memref<!tpu.dma_semaphore, #tpu.memory_space<semaphore_mem>>
        %dma_start3A_272 = arith.constant 0 : i32
        %dma_start3A_273 = arith.constant 0 : i32
        %dma_start3A_274 = arith.constant 0 : i32
        %dma_start3A_275 = tpu.memref_slice %run_scoped3A[%rem3A_259, %dma_start3A_272, %dma_start3A_273, %dma_start3A_274] : memref<5x4x4x1024xf32, #tpu.memory_space<vmem>> -> memref<1x4x4x1024xf32, #tpu.memory_space<vmem>>
        %dma_start3A_276 = tpu.memref_squeeze %dma_start3A_275 : memref<1x4x4x1024xf32, #tpu.memory_space<vmem>> -> memref<4x4x1024xf32, #tpu.memory_space<vmem>>
        %dma_start3A_277 = arith.constant 0 : i32
        %dma_start3A_278 = arith.constant 0 : i32
        %dma_start3A_279 = tpu.memref_slice %arg2[%dma_start3A_277, %mul3A_261, %dma_start3A_278] : memref<4x4096x1024xf32, #tpu.memory_space<hbm>> -> memref<4x4x1024xf32, #tpu.memory_space<hbm>>
        tpu.enqueue_dma source(%dma_start3A_279 : memref<4x4x1024xf32, #tpu.memory_space<hbm>>) target(%dma_start3A_276 : memref<4x4x1024xf32, #tpu.memory_space<vmem>>) target_semaphore(%dma_start3A_271 : memref<!tpu.dma_semaphore, #tpu.memory_space<semaphore_mem>>)
      } else {
      }
      %add3A_123 = arith.constant 1 : i32
      %add3A_124 = arith.addi %select_n3A_92, %add3A_123 : i32
      %select_n3A_125 = arith.select %and3A_121, %add3A_124, %select_n3A_92 : i32
      %ne3A_126 = arith.cmpi ne, %add3A_29, %add3A_13 : i32
      %or3A_127 = arith.constant false
      %or3A_128 = arith.ori %or3A_127, %ne3A_126 : i1
      %or3A_129 = arith.constant false
      %or3A_130 = arith.ori %or3A_128, %or3A_129 : i1
      %and3A_131 = arith.constant true
      %and3A_132 = arith.andi %and3A_131, %or3A_130 : i1
      %convert_element_type3A_133 = arith.extui %and3A_132 : i1 to i32
      %cond3A_134 = arith.constant 0 : i32
      %cond3A_135 = arith.cmpi ne, %convert_element_type3A_133, %cond3A_134 : i32
      scf.if %cond3A_135 {
        %rem3A_258 = arith.constant 3 : i32
        %rem3A_259 = arith.remui %select_n3A_117, %rem3A_258 : i32
        %mul3A_260 = arith.constant 4 : i32
        %mul3A_261 = arith.muli %mul3A_260, %add3A_29 : i32
        %dma_start3A_262 = arith.constant 0 : i32
        %dma_start3A_263 = arith.constant 0 : i32
        %dma_start3A_264 = tpu.memref_slice %run_scoped3A_8[%rem3A_259, %dma_start3A_262, %dma_start3A_263] : memref<3x4x1024xf32, #tpu.memory_space<vmem>> -> memref<1x4x1024xf32, #tpu.memory_space<vmem>>
        %dma_start3A_265 = tpu.memref_squeeze %dma_start3A_264 : memref<1x4x1024xf32, #tpu.memory_space<vmem>> -> memref<4x1024xf32, #tpu.memory_space<vmem>>
        %dma_start3A_266 = arith.constant 0 : i32
        %dma_start3A_267 = tpu.memref_slice %arg3[%mul3A_261, %dma_start3A_266] : memref<4096x1024xf32, #tpu.memory_space<hbm>> -> memref<4x1024xf32, #tpu.memory_space<hbm>>
        %dma_start3A_268 = tpu.memref_slice %run_scoped3A_9[%rem3A_259] : memref<3x!tpu.dma_semaphore, #tpu.memory_space<semaphore_mem>> -> memref<1x!tpu.dma_semaphore, #tpu.memory_space<semaphore_mem>>
        %dma_start3A_269 = tpu.memref_squeeze %dma_start3A_268 : memref<1x!tpu.dma_semaphore, #tpu.memory_space<semaphore_mem>> -> memref<!tpu.dma_semaphore, #tpu.memory_space<semaphore_mem>>
        %dma_start3A_270 = arith.constant 0 : i32
        %dma_start3A_271 = arith.constant 0 : i32
        %dma_start3A_272 = tpu.memref_slice %run_scoped3A_8[%rem3A_259, %dma_start3A_270, %dma_start3A_271] : memref<3x4x1024xf32, #tpu.memory_space<vmem>> -> memref<1x4x1024xf32, #tpu.memory_space<vmem>>
        %dma_start3A_273 = tpu.memref_squeeze %dma_start3A_272 : memref<1x4x1024xf32, #tpu.memory_space<vmem>> -> memref<4x1024xf32, #tpu.memory_space<vmem>>
        %dma_start3A_274 = arith.constant 0 : i32
        %dma_start3A_275 = tpu.memref_slice %arg3[%mul3A_261, %dma_start3A_274] : memref<4096x1024xf32, #tpu.memory_space<hbm>> -> memref<4x1024xf32, #tpu.memory_space<hbm>>
        tpu.enqueue_dma source(%dma_start3A_275 : memref<4x1024xf32, #tpu.memory_space<hbm>>) target(%dma_start3A_273 : memref<4x1024xf32, #tpu.memory_space<vmem>>) target_semaphore(%dma_start3A_269 : memref<!tpu.dma_semaphore, #tpu.memory_space<semaphore_mem>>)
      } else {
      }
      %add3A_136 = arith.constant 1 : i32
      %add3A_137 = arith.addi %select_n3A_117, %add3A_136 : i32
      %select_n3A_138 = arith.select %and3A_132, %add3A_137, %select_n3A_117 : i32
      "tpu.trace_stop"() : () -> ()
      "tpu.trace_start"() <{level = 10 : i32, message = "ep_initialize_2"}> : () -> ()
      %ne3A_139 = arith.cmpi ne, %add3A_38, %add3A_29 : i32
      %or3A_140 = arith.constant false
      %or3A_141 = arith.ori %or3A_140, %ne3A_139 : i1
      %or3A_142 = arith.constant false
      %or3A_143 = arith.ori %or3A_141, %or3A_142 : i1
      %and3A_144 = arith.constant true
      %and3A_145 = arith.andi %and3A_144, %or3A_143 : i1
      %convert_element_type3A_146 = arith.extui %and3A_145 : i1 to i32
      %cond3A_147 = arith.constant 0 : i32
      %cond3A_148 = arith.cmpi ne, %convert_element_type3A_146, %cond3A_147 : i32
      scf.if %cond3A_148 {
        %rem3A_258 = arith.constant 5 : i32
        %rem3A_259 = arith.remui %select_n3A_125, %rem3A_258 : i32
        %mul3A_260 = arith.constant 4 : i32
        %mul3A_261 = arith.muli %mul3A_260, %add3A_38 : i32
        %dma_start3A_262 = arith.constant 0 : i32
        %dma_start3A_263 = arith.constant 0 : i32
        %dma_start3A_264 = arith.constant 0 : i32
        %dma_start3A_265 = tpu.memref_slice %run_scoped3A[%rem3A_259, %dma_start3A_262, %dma_start3A_263, %dma_start3A_264] : memref<5x4x4x1024xf32, #tpu.memory_space<vmem>> -> memref<1x4x4x1024xf32, #tpu.memory_space<vmem>>
        %dma_start3A_266 = tpu.memref_squeeze %dma_start3A_265 : memref<1x4x4x1024xf32, #tpu.memory_space<vmem>> -> memref<4x4x1024xf32, #tpu.memory_space<vmem>>
        %dma_start3A_267 = arith.constant 0 : i32
        %dma_start3A_268 = arith.constant 0 : i32
        %dma_start3A_269 = tpu.memref_slice %arg2[%dma_start3A_267, %mul3A_261, %dma_start3A_268] : memref<4x4096x1024xf32, #tpu.memory_space<hbm>> -> memref<4x4x1024xf32, #tpu.memory_space<hbm>>
        %dma_start3A_270 = tpu.memref_slice %run_scoped3A_7[%rem3A_259] : memref<5x!tpu.dma_semaphore, #tpu.memory_space<semaphore_mem>> -> memref<1x!tpu.dma_semaphore, #tpu.memory_space<semaphore_mem>>
        %dma_start3A_271 = tpu.memref_squeeze %dma_start3A_270 : memref<1x!tpu.dma_semaphore, #tpu.memory_space<semaphore_mem>> -> memref<!tpu.dma_semaphore, #tpu.memory_space<semaphore_mem>>
        %dma_start3A_272 = arith.constant 0 : i32
        %dma_start3A_273 = arith.constant 0 : i32
        %dma_start3A_274 = arith.constant 0 : i32
        %dma_start3A_275 = tpu.memref_slice %run_scoped3A[%rem3A_259, %dma_start3A_272, %dma_start3A_273, %dma_start3A_274] : memref<5x4x4x1024xf32, #tpu.memory_space<vmem>> -> memref<1x4x4x1024xf32, #tpu.memory_space<vmem>>
        %dma_start3A_276 = tpu.memref_squeeze %dma_start3A_275 : memref<1x4x4x1024xf32, #tpu.memory_space<vmem>> -> memref<4x4x1024xf32, #tpu.memory_space<vmem>>
        %dma_start3A_277 = arith.constant 0 : i32
        %dma_start3A_278 = arith.constant 0 : i32
        %dma_start3A_279 = tpu.memref_slice %arg2[%dma_start3A_277, %mul3A_261, %dma_start3A_278] : memref<4x4096x1024xf32, #tpu.memory_space<hbm>> -> memref<4x4x1024xf32, #tpu.memory_space<hbm>>
        tpu.enqueue_dma source(%dma_start3A_279 : memref<4x4x1024xf32, #tpu.memory_space<hbm>>) target(%dma_start3A_276 : memref<4x4x1024xf32, #tpu.memory_space<vmem>>) target_semaphore(%dma_start3A_271 : memref<!tpu.dma_semaphore, #tpu.memory_space<semaphore_mem>>)
      } else {
      }
      %add3A_149 = arith.constant 1 : i32
      %add3A_150 = arith.addi %select_n3A_125, %add3A_149 : i32
      %select_n3A_151 = arith.select %and3A_145, %add3A_150, %select_n3A_125 : i32
      "tpu.trace_stop"() : () -> ()
      "tpu.trace_start"() <{level = 10 : i32, message = "ep_initialize_3"}> : () -> ()
      %ne3A_152 = arith.cmpi ne, %add3A_47, %add3A_38 : i32
      %or3A_153 = arith.constant false
      %or3A_154 = arith.ori %or3A_153, %ne3A_152 : i1
      %or3A_155 = arith.constant false
      %or3A_156 = arith.ori %or3A_154, %or3A_155 : i1
      %and3A_157 = arith.constant true
      %and3A_158 = arith.andi %and3A_157, %or3A_156 : i1
      %convert_element_type3A_159 = arith.extui %and3A_158 : i1 to i32
      %cond3A_160 = arith.constant 0 : i32
      %cond3A_161 = arith.cmpi ne, %convert_element_type3A_159, %cond3A_160 : i32
      scf.if %cond3A_161 {
        %rem3A_258 = arith.constant 5 : i32
        %rem3A_259 = arith.remui %select_n3A_151, %rem3A_258 : i32
        %mul3A_260 = arith.constant 4 : i32
        %mul3A_261 = arith.muli %mul3A_260, %add3A_47 : i32
        %dma_start3A_262 = arith.constant 0 : i32
        %dma_start3A_263 = arith.constant 0 : i32
        %dma_start3A_264 = arith.constant 0 : i32
        %dma_start3A_265 = tpu.memref_slice %run_scoped3A[%rem3A_259, %dma_start3A_262, %dma_start3A_263, %dma_start3A_264] : memref<5x4x4x1024xf32, #tpu.memory_space<vmem>> -> memref<1x4x4x1024xf32, #tpu.memory_space<vmem>>
        %dma_start3A_266 = tpu.memref_squeeze %dma_start3A_265 : memref<1x4x4x1024xf32, #tpu.memory_space<vmem>> -> memref<4x4x1024xf32, #tpu.memory_space<vmem>>
        %dma_start3A_267 = arith.constant 0 : i32
        %dma_start3A_268 = arith.constant 0 : i32
        %dma_start3A_269 = tpu.memref_slice %arg2[%dma_start3A_267, %mul3A_261, %dma_start3A_268] : memref<4x4096x1024xf32, #tpu.memory_space<hbm>> -> memref<4x4x1024xf32, #tpu.memory_space<hbm>>
        %dma_start3A_270 = tpu.memref_slice %run_scoped3A_7[%rem3A_259] : memref<5x!tpu.dma_semaphore, #tpu.memory_space<semaphore_mem>> -> memref<1x!tpu.dma_semaphore, #tpu.memory_space<semaphore_mem>>
        %dma_start3A_271 = tpu.memref_squeeze %dma_start3A_270 : memref<1x!tpu.dma_semaphore, #tpu.memory_space<semaphore_mem>> -> memref<!tpu.dma_semaphore, #tpu.memory_space<semaphore_mem>>
        %dma_start3A_272 = arith.constant 0 : i32
        %dma_start3A_273 = arith.constant 0 : i32
        %dma_start3A_274 = arith.constant 0 : i32
        %dma_start3A_275 = tpu.memref_slice %run_scoped3A[%rem3A_259, %dma_start3A_272, %dma_start3A_273, %dma_start3A_274] : memref<5x4x4x1024xf32, #tpu.memory_space<vmem>> -> memref<1x4x4x1024xf32, #tpu.memory_space<vmem>>
        %dma_start3A_276 = tpu.memref_squeeze %dma_start3A_275 : memref<1x4x4x1024xf32, #tpu.memory_space<vmem>> -> memref<4x4x1024xf32, #tpu.memory_space<vmem>>
        %dma_start3A_277 = arith.constant 0 : i32
        %dma_start3A_278 = arith.constant 0 : i32
        %dma_start3A_279 = tpu.memref_slice %arg2[%dma_start3A_277, %mul3A_261, %dma_start3A_278] : memref<4x4096x1024xf32, #tpu.memory_space<hbm>> -> memref<4x4x1024xf32, #tpu.memory_space<hbm>>
        tpu.enqueue_dma source(%dma_start3A_279 : memref<4x4x1024xf32, #tpu.memory_space<hbm>>) target(%dma_start3A_276 : memref<4x4x1024xf32, #tpu.memory_space<vmem>>) target_semaphore(%dma_start3A_271 : memref<!tpu.dma_semaphore, #tpu.memory_space<semaphore_mem>>)
      } else {
      }
      %add3A_162 = arith.constant 1 : i32
      %add3A_163 = arith.addi %select_n3A_151, %add3A_162 : i32
      %select_n3A_164 = arith.select %and3A_158, %add3A_163, %select_n3A_151 : i32
      "tpu.trace_stop"() : () -> ()
      %scan3A = arith.constant 0 : i32
      %scan3A_165 = arith.constant 0 : i32
      %scan3A_166 = arith.constant 0 : i32
      %scan3A_167 = arith.constant 0 : i32
      %scan3A_168 = arith.constant 0 : i32
      %scan3A_169 = arith.constant 0 : i32
      %scan3A_170 = arith.constant 32 : i32
      %scan3A_171 = arith.addi %scan3A_169, %scan3A_170 : i32
      %scan3A_172 = arith.constant 1 : i32
      %scan3A_173:7 = scf.for %scan3A_258 = %scan3A_169 to %scan3A_171 step %scan3A_172 iter_args(%scan3A_259 = %select_n3A_164, %scan3A_260 = %scan3A, %scan3A_261 = %select_n3A_138, %scan3A_262 = %scan3A_165, %scan3A_263 = %scan3A_166, %scan3A_264 = %scan3A_167, %scan3A_265 = %scan3A_168) -> (i32, i32, i32, i32, i32, i32, i32)  : i32 {
        %eq3A_266 = arith.constant 0 : i32
        %eq3A_267 = arith.cmpi eq, %scan3A_258, %eq3A_266 : i32
        %eq3A_268 = arith.constant 31 : i32
        %eq3A_269 = arith.cmpi eq, %scan3A_258, %eq3A_268 : i32
        %add3A_270 = arith.addi %scan3A_265, %mul3A_6 : i32
        %sub3A_271 = arith.constant 1 : i32
        %sub3A_272 = arith.subi %scan3A_265, %sub3A_271 : i32
        %select_n3A_273 = arith.constant true
        %select_n3A_274 = arith.select %select_n3A_273, %sub3A_272, %scan3A_265 : i32
        %eq3A_275 = arith.constant -1 : i32
        %eq3A_276 = arith.cmpi eq, %select_n3A_274, %eq3A_275 : i32
        %select_n3A_277 = arith.constant 31 : i32
        %select_n3A_278 = arith.select %eq3A_276, %select_n3A_277, %select_n3A_274 : i32
        %add3A_279 = arith.addi %select_n3A_278, %mul3A_6 : i32
        %add3A_280 = arith.constant 1 : i32
        %add3A_281 = arith.addi %scan3A_265, %add3A_280 : i32
        %select_n3A_282 = arith.constant true
        %select_n3A_283 = arith.select %select_n3A_282, %add3A_281, %scan3A_265 : i32
        %eq3A_284 = arith.constant 32 : i32
        %eq3A_285 = arith.cmpi eq, %select_n3A_283, %eq3A_284 : i32
        %select_n3A_286 = arith.constant 0 : i32
        %select_n3A_287 = arith.select %eq3A_285, %select_n3A_286, %select_n3A_283 : i32
        %add3A_288 = arith.addi %select_n3A_287, %mul3A_6 : i32
        %add3A_289 = arith.constant 1 : i32
        %add3A_290 = arith.addi %select_n3A_287, %add3A_289 : i32
        %select_n3A_291 = arith.constant true
        %select_n3A_292 = arith.select %select_n3A_291, %add3A_290, %select_n3A_287 : i32
        %eq3A_293 = arith.constant 32 : i32
        %eq3A_294 = arith.cmpi eq, %select_n3A_292, %eq3A_293 : i32
        %select_n3A_295 = arith.constant 0 : i32
        %select_n3A_296 = arith.select %eq3A_294, %select_n3A_295, %select_n3A_292 : i32
        %add3A_297 = arith.addi %select_n3A_296, %mul3A_6 : i32
        %add3A_298 = arith.constant 1 : i32
        %add3A_299 = arith.addi %select_n3A_296, %add3A_298 : i32
        %select_n3A_300 = arith.constant true
        %select_n3A_301 = arith.select %select_n3A_300, %add3A_299, %select_n3A_296 : i32
        %eq3A_302 = arith.constant 32 : i32
        %eq3A_303 = arith.cmpi eq, %select_n3A_301, %eq3A_302 : i32
        %select_n3A_304 = arith.constant 0 : i32
        %select_n3A_305 = arith.select %eq3A_303, %select_n3A_304, %select_n3A_301 : i32
        %add3A_306 = arith.addi %select_n3A_305, %mul3A_6 : i32
        %add3A_307 = arith.constant 1 : i32
        %add3A_308 = arith.addi %select_n3A_305, %add3A_307 : i32
        %select_n3A_309 = arith.constant true
        %select_n3A_310 = arith.select %select_n3A_309, %add3A_308, %select_n3A_305 : i32
        %eq3A_311 = arith.constant 32 : i32
        %eq3A_312 = arith.cmpi eq, %select_n3A_310, %eq3A_311 : i32
        %select_n3A_313 = arith.constant 0 : i32
        %select_n3A_314 = arith.select %eq3A_312, %select_n3A_313, %select_n3A_310 : i32
        %add3A_315 = arith.addi %select_n3A_314, %mul3A_6 : i32
        %add3A_316 = arith.constant 1 : i32
        %add3A_317 = arith.addi %select_n3A_314, %add3A_316 : i32
        %select_n3A_318 = arith.constant true
        %select_n3A_319 = arith.select %select_n3A_318, %add3A_317, %select_n3A_314 : i32
        %eq3A_320 = arith.constant 32 : i32
        %eq3A_321 = arith.cmpi eq, %select_n3A_319, %eq3A_320 : i32
        %select_n3A_322 = arith.constant 0 : i32
        %select_n3A_323 = arith.select %eq3A_321, %select_n3A_322, %select_n3A_319 : i32
        %add3A_324 = arith.addi %select_n3A_323, %mul3A_6 : i32
        %ne3A_325 = arith.cmpi ne, %add3A_306, %add3A_315 : i32
        %or3A_326 = arith.constant false
        %or3A_327 = arith.ori %or3A_326, %ne3A_325 : i1
        %or3A_328 = arith.constant false
        %or3A_329 = arith.ori %or3A_327, %or3A_328 : i1
        %ge3A = arith.constant 28 : i32
        %ge3A_330 = arith.cmpi sge, %scan3A_258, %ge3A : i32
        %not3A = arith.constant true
        %not3A_331 = arith.xori %ge3A_330, %not3A : i1
        %and3A_332 = arith.andi %or3A_329, %not3A_331 : i1
        %convert_element_type3A_333 = arith.extui %and3A_332 : i1 to i32
        %cond3A_334 = arith.constant 0 : i32
        %cond3A_335 = arith.cmpi ne, %convert_element_type3A_333, %cond3A_334 : i32
        scf.if %cond3A_335 {
          "tpu.trace_start"() <{level = 10 : i32, message = "ep_copy_in"}> : () -> ()
          %rem3A_511 = arith.constant 5 : i32
          %rem3A_512 = arith.remui %scan3A_259, %rem3A_511 : i32
          %mul3A_513 = arith.constant 4 : i32
          %mul3A_514 = arith.muli %mul3A_513, %add3A_315 : i32
          %dma_start3A_515 = arith.constant 0 : i32
          %dma_start3A_516 = arith.constant 0 : i32
          %dma_start3A_517 = arith.constant 0 : i32
          %dma_start3A_518 = tpu.memref_slice %run_scoped3A[%rem3A_512, %dma_start3A_515, %dma_start3A_516, %dma_start3A_517] : memref<5x4x4x1024xf32, #tpu.memory_space<vmem>> -> memref<1x4x4x1024xf32, #tpu.memory_space<vmem>>
          %dma_start3A_519 = tpu.memref_squeeze %dma_start3A_518 : memref<1x4x4x1024xf32, #tpu.memory_space<vmem>> -> memref<4x4x1024xf32, #tpu.memory_space<vmem>>
          %dma_start3A_520 = arith.constant 0 : i32
          %dma_start3A_521 = arith.constant 0 : i32
          %dma_start3A_522 = tpu.memref_slice %arg2[%dma_start3A_520, %mul3A_514, %dma_start3A_521] : memref<4x4096x1024xf32, #tpu.memory_space<hbm>> -> memref<4x4x1024xf32, #tpu.memory_space<hbm>>
          %dma_start3A_523 = tpu.memref_slice %run_scoped3A_7[%rem3A_512] : memref<5x!tpu.dma_semaphore, #tpu.memory_space<semaphore_mem>> -> memref<1x!tpu.dma_semaphore, #tpu.memory_space<semaphore_mem>>
          %dma_start3A_524 = tpu.memref_squeeze %dma_start3A_523 : memref<1x!tpu.dma_semaphore, #tpu.memory_space<semaphore_mem>> -> memref<!tpu.dma_semaphore, #tpu.memory_space<semaphore_mem>>
          %dma_start3A_525 = arith.constant 0 : i32
          %dma_start3A_526 = arith.constant 0 : i32
          %dma_start3A_527 = arith.constant 0 : i32
          %dma_start3A_528 = tpu.memref_slice %run_scoped3A[%rem3A_512, %dma_start3A_525, %dma_start3A_526, %dma_start3A_527] : memref<5x4x4x1024xf32, #tpu.memory_space<vmem>> -> memref<1x4x4x1024xf32, #tpu.memory_space<vmem>>
          %dma_start3A_529 = tpu.memref_squeeze %dma_start3A_528 : memref<1x4x4x1024xf32, #tpu.memory_space<vmem>> -> memref<4x4x1024xf32, #tpu.memory_space<vmem>>
          %dma_start3A_530 = arith.constant 0 : i32
          %dma_start3A_531 = arith.constant 0 : i32
          %dma_start3A_532 = tpu.memref_slice %arg2[%dma_start3A_530, %mul3A_514, %dma_start3A_531] : memref<4x4096x1024xf32, #tpu.memory_space<hbm>> -> memref<4x4x1024xf32, #tpu.memory_space<hbm>>
          tpu.enqueue_dma source(%dma_start3A_532 : memref<4x4x1024xf32, #tpu.memory_space<hbm>>) target(%dma_start3A_529 : memref<4x4x1024xf32, #tpu.memory_space<vmem>>) target_semaphore(%dma_start3A_524 : memref<!tpu.dma_semaphore, #tpu.memory_space<semaphore_mem>>)
          "tpu.trace_stop"() : () -> ()
        } else {
        }
        %and3A_336 = arith.constant true
        %and3A_337 = arith.andi %and3A_332, %and3A_336 : i1
        %add3A_338 = arith.constant 1 : i32
        %add3A_339 = arith.addi %scan3A_259, %add3A_338 : i32
        %select_n3A_340 = arith.select %and3A_337, %add3A_339, %scan3A_259 : i32
        %ne3A_341 = arith.cmpi ne, %add3A_288, %add3A_297 : i32
        %or3A_342 = arith.constant false
        %or3A_343 = arith.ori %or3A_342, %ne3A_341 : i1
        %or3A_344 = arith.constant false
        %or3A_345 = arith.ori %or3A_343, %or3A_344 : i1
        %ge3A_346 = arith.constant 30 : i32
        %ge3A_347 = arith.cmpi sge, %scan3A_258, %ge3A_346 : i32
        %not3A_348 = arith.constant true
        %not3A_349 = arith.xori %ge3A_347, %not3A_348 : i1
        %and3A_350 = arith.andi %or3A_345, %not3A_349 : i1
        %convert_element_type3A_351 = arith.extui %and3A_350 : i1 to i32
        %cond3A_352 = arith.constant 0 : i32
        %cond3A_353 = arith.cmpi ne, %convert_element_type3A_351, %cond3A_352 : i32
        scf.if %cond3A_353 {
          "tpu.trace_start"() <{level = 10 : i32, message = "ep_copy_in"}> : () -> ()
          %rem3A_511 = arith.constant 3 : i32
          %rem3A_512 = arith.remui %scan3A_261, %rem3A_511 : i32
          %mul3A_513 = arith.constant 4 : i32
          %mul3A_514 = arith.muli %mul3A_513, %add3A_297 : i32
          %dma_start3A_515 = arith.constant 0 : i32
          %dma_start3A_516 = arith.constant 0 : i32
          %dma_start3A_517 = tpu.memref_slice %run_scoped3A_8[%rem3A_512, %dma_start3A_515, %dma_start3A_516] : memref<3x4x1024xf32, #tpu.memory_space<vmem>> -> memref<1x4x1024xf32, #tpu.memory_space<vmem>>
          %dma_start3A_518 = tpu.memref_squeeze %dma_start3A_517 : memref<1x4x1024xf32, #tpu.memory_space<vmem>> -> memref<4x1024xf32, #tpu.memory_space<vmem>>
          %dma_start3A_519 = arith.constant 0 : i32
          %dma_start3A_520 = tpu.memref_slice %arg3[%mul3A_514, %dma_start3A_519] : memref<4096x1024xf32, #tpu.memory_space<hbm>> -> memref<4x1024xf32, #tpu.memory_space<hbm>>
          %dma_start3A_521 = tpu.memref_slice %run_scoped3A_9[%rem3A_512] : memref<3x!tpu.dma_semaphore, #tpu.memory_space<semaphore_mem>> -> memref<1x!tpu.dma_semaphore, #tpu.memory_space<semaphore_mem>>
          %dma_start3A_522 = tpu.memref_squeeze %dma_start3A_521 : memref<1x!tpu.dma_semaphore, #tpu.memory_space<semaphore_mem>> -> memref<!tpu.dma_semaphore, #tpu.memory_space<semaphore_mem>>
          %dma_start3A_523 = arith.constant 0 : i32
          %dma_start3A_524 = arith.constant 0 : i32
          %dma_start3A_525 = tpu.memref_slice %run_scoped3A_8[%rem3A_512, %dma_start3A_523, %dma_start3A_524] : memref<3x4x1024xf32, #tpu.memory_space<vmem>> -> memref<1x4x1024xf32, #tpu.memory_space<vmem>>
          %dma_start3A_526 = tpu.memref_squeeze %dma_start3A_525 : memref<1x4x1024xf32, #tpu.memory_space<vmem>> -> memref<4x1024xf32, #tpu.memory_space<vmem>>
          %dma_start3A_527 = arith.constant 0 : i32
          %dma_start3A_528 = tpu.memref_slice %arg3[%mul3A_514, %dma_start3A_527] : memref<4096x1024xf32, #tpu.memory_space<hbm>> -> memref<4x1024xf32, #tpu.memory_space<hbm>>
          tpu.enqueue_dma source(%dma_start3A_528 : memref<4x1024xf32, #tpu.memory_space<hbm>>) target(%dma_start3A_526 : memref<4x1024xf32, #tpu.memory_space<vmem>>) target_semaphore(%dma_start3A_522 : memref<!tpu.dma_semaphore, #tpu.memory_space<semaphore_mem>>)
          "tpu.trace_stop"() : () -> ()
        } else {
        }
        %and3A_354 = arith.constant true
        %and3A_355 = arith.andi %and3A_350, %and3A_354 : i1
        %add3A_356 = arith.constant 1 : i32
        %add3A_357 = arith.addi %scan3A_261, %add3A_356 : i32
        %select_n3A_358 = arith.select %and3A_355, %add3A_357, %scan3A_261 : i32
        %ne3A_359 = arith.cmpi ne, %add3A_270, %add3A_288 : i32
        %or3A_360 = arith.constant false
        %or3A_361 = arith.ori %or3A_360, %ne3A_359 : i1
        %or3A_362 = arith.constant false
        %or3A_363 = arith.ori %or3A_361, %or3A_362 : i1
        %ge3A_364 = arith.constant 31 : i32
        %ge3A_365 = arith.cmpi sge, %scan3A_258, %ge3A_364 : i32
        %not3A_366 = arith.constant true
        %not3A_367 = arith.xori %ge3A_365, %not3A_366 : i1
        %and3A_368 = arith.andi %or3A_363, %not3A_367 : i1
        %ne3A_369 = arith.cmpi ne, %add3A_270, %add3A_279 : i32
        %or3A_370 = arith.constant false
        %or3A_371 = arith.ori %or3A_370, %ne3A_369 : i1
        %or3A_372 = arith.constant false
        %or3A_373 = arith.ori %or3A_371, %or3A_372 : i1
        %or3A_374 = arith.ori %or3A_373, %eq3A_267 : i1
        %convert_element_type3A_375 = arith.extui %or3A_374 : i1 to i32
        %cond3A_376 = arith.constant 0 : i32
        %cond3A_377 = arith.cmpi ne, %convert_element_type3A_375, %cond3A_376 : i32
        scf.if %cond3A_377 {
          "tpu.trace_start"() <{level = 10 : i32, message = "ep_wait_in"}> : () -> ()
          %mul3A_511 = arith.constant 4 : i32
          %mul3A_512 = arith.muli %mul3A_511, %add3A_270 : i32
          %rem3A_513 = arith.constant 5 : i32
          %rem3A_514 = arith.remui %scan3A_260, %rem3A_513 : i32
          %dma_wait3A_515 = arith.constant 0 : i32
          %dma_wait3A_516 = arith.constant 0 : i32
          %dma_wait3A_517 = arith.constant 0 : i32
          %dma_wait3A_518 = tpu.memref_slice %run_scoped3A[%rem3A_514, %dma_wait3A_515, %dma_wait3A_516, %dma_wait3A_517] : memref<5x4x4x1024xf32, #tpu.memory_space<vmem>> -> memref<1x4x4x1024xf32, #tpu.memory_space<vmem>>
          %dma_wait3A_519 = tpu.memref_squeeze %dma_wait3A_518 : memref<1x4x4x1024xf32, #tpu.memory_space<vmem>> -> memref<4x4x1024xf32, #tpu.memory_space<vmem>>
          %dma_wait3A_520 = arith.constant 0 : i32
          %dma_wait3A_521 = arith.constant 0 : i32
          %dma_wait3A_522 = tpu.memref_slice %arg2[%dma_wait3A_520, %mul3A_512, %dma_wait3A_521] : memref<4x4096x1024xf32, #tpu.memory_space<hbm>> -> memref<4x4x1024xf32, #tpu.memory_space<hbm>>
          %dma_wait3A_523 = tpu.memref_slice %run_scoped3A_7[%rem3A_514] : memref<5x!tpu.dma_semaphore, #tpu.memory_space<semaphore_mem>> -> memref<1x!tpu.dma_semaphore, #tpu.memory_space<semaphore_mem>>
          %dma_wait3A_524 = tpu.memref_squeeze %dma_wait3A_523 : memref<1x!tpu.dma_semaphore, #tpu.memory_space<semaphore_mem>> -> memref<!tpu.dma_semaphore, #tpu.memory_space<semaphore_mem>>
          %dma_wait3A_525 = arith.constant 0 : i32
          %dma_wait3A_526 = arith.constant 0 : i32
          %dma_wait3A_527 = arith.constant 0 : i32
          %dma_wait3A_528 = tpu.memref_slice %run_scoped3A[%rem3A_514, %dma_wait3A_525, %dma_wait3A_526, %dma_wait3A_527] : memref<5x4x4x1024xf32, #tpu.memory_space<vmem>> -> memref<1x4x4x1024xf32, #tpu.memory_space<vmem>>
          %dma_wait3A_529 = tpu.memref_squeeze %dma_wait3A_528 : memref<1x4x4x1024xf32, #tpu.memory_space<vmem>> -> memref<4x4x1024xf32, #tpu.memory_space<vmem>>
          %dma_wait3A_530 = arith.constant 0 : i32
          %dma_wait3A_531 = arith.constant 0 : i32
          %dma_wait3A_532 = tpu.memref_slice %arg2[%dma_wait3A_530, %mul3A_512, %dma_wait3A_531] : memref<4x4096x1024xf32, #tpu.memory_space<hbm>> -> memref<4x4x1024xf32, #tpu.memory_space<hbm>>
          tpu.wait_dma2 semaphore(%dma_wait3A_524 : memref<!tpu.dma_semaphore, #tpu.memory_space<semaphore_mem>>) src(%dma_wait3A_532 : memref<4x4x1024xf32, #tpu.memory_space<hbm>>) dst(%dma_wait3A_529 : memref<4x4x1024xf32, #tpu.memory_space<vmem>>)
          "tpu.trace_stop"() : () -> ()
        } else {
        }
        %ne3A_378 = arith.cmpi ne, %add3A_270, %add3A_279 : i32
        %or3A_379 = arith.constant false
        %or3A_380 = arith.ori %or3A_379, %ne3A_378 : i1
        %or3A_381 = arith.constant false
        %or3A_382 = arith.ori %or3A_380, %or3A_381 : i1
        %or3A_383 = arith.ori %or3A_382, %eq3A_267 : i1
        %convert_element_type3A_384 = arith.extui %or3A_383 : i1 to i32
        %cond3A_385 = arith.constant 0 : i32
        %cond3A_386 = arith.cmpi ne, %convert_element_type3A_384, %cond3A_385 : i32
        scf.if %cond3A_386 {
          "tpu.trace_start"() <{level = 10 : i32, message = "ep_wait_in"}> : () -> ()
          %mul3A_511 = arith.constant 4 : i32
          %mul3A_512 = arith.muli %mul3A_511, %add3A_270 : i32
          %rem3A_513 = arith.constant 3 : i32
          %rem3A_514 = arith.remui %scan3A_262, %rem3A_513 : i32
          %dma_wait3A_515 = arith.constant 0 : i32
          %dma_wait3A_516 = arith.constant 0 : i32
          %dma_wait3A_517 = tpu.memref_slice %run_scoped3A_8[%rem3A_514, %dma_wait3A_515, %dma_wait3A_516] : memref<3x4x1024xf32, #tpu.memory_space<vmem>> -> memref<1x4x1024xf32, #tpu.memory_space<vmem>>
          %dma_wait3A_518 = tpu.memref_squeeze %dma_wait3A_517 : memref<1x4x1024xf32, #tpu.memory_space<vmem>> -> memref<4x1024xf32, #tpu.memory_space<vmem>>
          %dma_wait3A_519 = arith.constant 0 : i32
          %dma_wait3A_520 = tpu.memref_slice %arg3[%mul3A_512, %dma_wait3A_519] : memref<4096x1024xf32, #tpu.memory_space<hbm>> -> memref<4x1024xf32, #tpu.memory_space<hbm>>
          %dma_wait3A_521 = tpu.memref_slice %run_scoped3A_9[%rem3A_514] : memref<3x!tpu.dma_semaphore, #tpu.memory_space<semaphore_mem>> -> memref<1x!tpu.dma_semaphore, #tpu.memory_space<semaphore_mem>>
          %dma_wait3A_522 = tpu.memref_squeeze %dma_wait3A_521 : memref<1x!tpu.dma_semaphore, #tpu.memory_space<semaphore_mem>> -> memref<!tpu.dma_semaphore, #tpu.memory_space<semaphore_mem>>
          %dma_wait3A_523 = arith.constant 0 : i32
          %dma_wait3A_524 = arith.constant 0 : i32
          %dma_wait3A_525 = tpu.memref_slice %run_scoped3A_8[%rem3A_514, %dma_wait3A_523, %dma_wait3A_524] : memref<3x4x1024xf32, #tpu.memory_space<vmem>> -> memref<1x4x1024xf32, #tpu.memory_space<vmem>>
          %dma_wait3A_526 = tpu.memref_squeeze %dma_wait3A_525 : memref<1x4x1024xf32, #tpu.memory_space<vmem>> -> memref<4x1024xf32, #tpu.memory_space<vmem>>
          %dma_wait3A_527 = arith.constant 0 : i32
          %dma_wait3A_528 = tpu.memref_slice %arg3[%mul3A_512, %dma_wait3A_527] : memref<4096x1024xf32, #tpu.memory_space<hbm>> -> memref<4x1024xf32, #tpu.memory_space<hbm>>
          tpu.wait_dma2 semaphore(%dma_wait3A_522 : memref<!tpu.dma_semaphore, #tpu.memory_space<semaphore_mem>>) src(%dma_wait3A_528 : memref<4x1024xf32, #tpu.memory_space<hbm>>) dst(%dma_wait3A_526 : memref<4x1024xf32, #tpu.memory_space<vmem>>)
          "tpu.trace_stop"() : () -> ()
        } else {
        }
        %ne3A_387 = arith.cmpi ne, %add3A_270, %add3A_279 : i32
        %or3A_388 = arith.constant false
        %or3A_389 = arith.ori %or3A_388, %ne3A_387 : i1
        %or3A_390 = arith.constant false
        %or3A_391 = arith.ori %or3A_389, %or3A_390 : i1
        %or3A_392 = arith.ori %or3A_391, %eq3A_267 : i1
        %convert_element_type3A_393 = arith.extui %or3A_392 : i1 to i32
        %cond3A_394 = arith.constant 0 : i32
        %cond3A_395 = arith.cmpi ne, %convert_element_type3A_393, %cond3A_394 : i32
        scf.if %cond3A_395 {
        } else {
        }
        %rem3A_396 = arith.constant 5 : i32
        %rem3A_397 = arith.remui %scan3A_260, %rem3A_396 : i32
        %rem3A_398 = arith.constant 3 : i32
        %rem3A_399 = arith.remui %scan3A_262, %rem3A_398 : i32
        %rem3A_400 = arith.constant 2 : i32
        %rem3A_401 = arith.remui %scan3A_263, %rem3A_400 : i32
        "tpu.trace_start"() <{level = 10 : i32, message = "ep_run_kernel"}> : () -> ()
        %scan3A_402 = arith.constant 0 : i32
        %scan3A_403 = arith.constant 4 : i32
        %scan3A_404 = arith.addi %scan3A_402, %scan3A_403 : i32
        %scan3A_405 = arith.constant 1 : i32
        scf.for %scan3A_511 = %scan3A_402 to %scan3A_404 step %scan3A_405  : i32 {
          %mul3A_512 = arith.constant 1 : i32
          %mul3A_513 = arith.muli %scan3A_511, %mul3A_512 : i32
          %add3A_514 = arith.constant 0 : i32
          %add3A_515 = arith.addi %add3A_514, %mul3A_513 : i32
          %parallel_loop3A = arith.constant 0 : i32
          %parallel_loop3A_516 = arith.constant 1024 : i32
          %parallel_loop3A_517 = arith.constant 16 : i32
          scf.for %parallel_loop3A_518 = %parallel_loop3A to %parallel_loop3A_516 step %parallel_loop3A_517  : i32 {
            %parallel_loop3A_519 = arith.constant 0 : i32
            %parallel_loop3A_520 = arith.constant 0 : i32
            %parallel_loop3A_521 = tpu.memref_slice %run_scoped3A_8[%rem3A_399, %parallel_loop3A_519, %parallel_loop3A_520] : memref<3x4x1024xf32, #tpu.memory_space<vmem>> -> memref<1x4x1024xf32, #tpu.memory_space<vmem>>
            %parallel_loop3A_522 = tpu.memref_squeeze %parallel_loop3A_521 : memref<1x4x1024xf32, #tpu.memory_space<vmem>> -> memref<4x1024xf32, #tpu.memory_space<vmem>>
            %parallel_loop3A_523 = arith.index_cast %add3A_515 : i32 to index
            %parallel_loop3A_524 = arith.index_cast %parallel_loop3A_518 : i32 to index
            %parallel_loop3A_525 = tpu.vector_load %parallel_loop3A_522[%parallel_loop3A_523, %parallel_loop3A_524] {strides = array<i32>} : memref<4x1024xf32, #tpu.memory_space<vmem>>, vector<1x16xf32>,
            %parallel_loop3A_526 = vector.shape_cast %parallel_loop3A_525 : vector<1x16xf32> to vector<16xf32>
            %parallel_loop3A_527 = arith.constant 0 : i32
            %parallel_loop3A_528 = arith.constant 0 : i32
            %parallel_loop3A_529 = arith.constant 0 : i32
            %parallel_loop3A_530 = arith.constant 0 : i32
            %parallel_loop3A_531 = tpu.memref_slice %run_scoped3A[%rem3A_397, %parallel_loop3A_528, %parallel_loop3A_529, %parallel_loop3A_530] : memref<5x4x4x1024xf32, #tpu.memory_space<vmem>> -> memref<1x4x4x1024xf32, #tpu.memory_space<vmem>>
            %parallel_loop3A_532 = tpu.memref_squeeze %parallel_loop3A_531 : memref<1x4x4x1024xf32, #tpu.memory_space<vmem>> -> memref<4x4x1024xf32, #tpu.memory_space<vmem>>
            %parallel_loop3A_533 = arith.index_cast %parallel_loop3A_527 : i32 to index
            %parallel_loop3A_534 = arith.index_cast %add3A_515 : i32 to index
            %parallel_loop3A_535 = arith.index_cast %parallel_loop3A_518 : i32 to index
            %parallel_loop3A_536 = tpu.vector_load %parallel_loop3A_532[%parallel_loop3A_533, %parallel_loop3A_534, %parallel_loop3A_535] {strides = array<i32>} : memref<4x4x1024xf32, #tpu.memory_space<vmem>>, vector<1x1x16xf32>,
            %parallel_loop3A_537 = vector.shape_cast %parallel_loop3A_536 : vector<1x1x16xf32> to vector<16xf32>
            %parallel_loop3A_538 = arith.addf %parallel_loop3A_537, %parallel_loop3A_526 : vector<16xf32>
            %parallel_loop3A_539 = arith.constant 0 : i32
            %parallel_loop3A_540 = arith.constant 0 : i32
            %parallel_loop3A_541 = arith.constant 0 : i32
            %parallel_loop3A_542 = arith.constant 0 : i32
            %parallel_loop3A_543 = tpu.memref_slice %run_scoped3A_10[%rem3A_401, %parallel_loop3A_540, %parallel_loop3A_541, %parallel_loop3A_542] : memref<2x4x4x1024xf32, #tpu.memory_space<vmem>> -> memref<1x4x4x1024xf32, #tpu.memory_space<vmem>>
            %parallel_loop3A_544 = tpu.memref_squeeze %parallel_loop3A_543 : memref<1x4x4x1024xf32, #tpu.memory_space<vmem>> -> memref<4x4x1024xf32, #tpu.memory_space<vmem>>
            %parallel_loop3A_545 = arith.index_cast %parallel_loop3A_539 : i32 to index
            %parallel_loop3A_546 = arith.index_cast %add3A_515 : i32 to index
            %parallel_loop3A_547 = arith.index_cast %parallel_loop3A_518 : i32 to index
            %parallel_loop3A_548 = tpu.vector_load %parallel_loop3A_544[%parallel_loop3A_545, %parallel_loop3A_546, %parallel_loop3A_547] {strides = array<i32>} : memref<4x4x1024xf32, #tpu.memory_space<vmem>>, vector<1x1x16xf32>,
            %parallel_loop3A_549 = vector.shape_cast %parallel_loop3A_548 : vector<1x1x16xf32> to vector<16xf32>
            %parallel_loop3A_550 = vector.shape_cast %parallel_loop3A_538 : vector<16xf32> to vector<1x1x16xf32>
            tpu.vector_store %parallel_loop3A_544[%parallel_loop3A_545, %parallel_loop3A_546, %parallel_loop3A_547], %parallel_loop3A_550 {strides = array<i32>} : memref<4x4x1024xf32, #tpu.memory_space<vmem>>, vector<1x1x16xf32>,
            %parallel_loop3A_551 = arith.constant 1 : i32
            %parallel_loop3A_552 = arith.constant 0 : i32
            %parallel_loop3A_553 = arith.constant 0 : i32
            %parallel_loop3A_554 = arith.constant 0 : i32
            %parallel_loop3A_555 = tpu.memref_slice %run_scoped3A[%rem3A_397, %parallel_loop3A_552, %parallel_loop3A_553, %parallel_loop3A_554] : memref<5x4x4x1024xf32, #tpu.memory_space<vmem>> -> memref<1x4x4x1024xf32, #tpu.memory_space<vmem>>
            %parallel_loop3A_556 = tpu.memref_squeeze %parallel_loop3A_555 : memref<1x4x4x1024xf32, #tpu.memory_space<vmem>> -> memref<4x4x1024xf32, #tpu.memory_space<vmem>>
            %parallel_loop3A_557 = arith.index_cast %parallel_loop3A_551 : i32 to index
            %parallel_loop3A_558 = arith.index_cast %add3A_515 : i32 to index
            %parallel_loop3A_559 = arith.index_cast %parallel_loop3A_518 : i32 to index
            %parallel_loop3A_560 = tpu.vector_load %parallel_loop3A_556[%parallel_loop3A_557, %parallel_loop3A_558, %parallel_loop3A_559] {strides = array<i32>} : memref<4x4x1024xf32, #tpu.memory_space<vmem>>, vector<1x1x16xf32>,
            %parallel_loop3A_561 = vector.shape_cast %parallel_loop3A_560 : vector<1x1x16xf32> to vector<16xf32>
            %parallel_loop3A_562 = arith.addf %parallel_loop3A_561, %parallel_loop3A_526 : vector<16xf32>
            %parallel_loop3A_563 = arith.constant 1 : i32
            %parallel_loop3A_564 = arith.constant 0 : i32
            %parallel_loop3A_565 = arith.constant 0 : i32
            %parallel_loop3A_566 = arith.constant 0 : i32
            %parallel_loop3A_567 = tpu.memref_slice %run_scoped3A_10[%rem3A_401, %parallel_loop3A_564, %parallel_loop3A_565, %parallel_loop3A_566] : memref<2x4x4x1024xf32, #tpu.memory_space<vmem>> -> memref<1x4x4x1024xf32, #tpu.memory_space<vmem>>
            %parallel_loop3A_568 = tpu.memref_squeeze %parallel_loop3A_567 : memref<1x4x4x1024xf32, #tpu.memory_space<vmem>> -> memref<4x4x1024xf32, #tpu.memory_space<vmem>>
            %parallel_loop3A_569 = arith.index_cast %parallel_loop3A_563 : i32 to index
            %parallel_loop3A_570 = arith.index_cast %add3A_515 : i32 to index
            %parallel_loop3A_571 = arith.index_cast %parallel_loop3A_518 : i32 to index
            %parallel_loop3A_572 = tpu.vector_load %parallel_loop3A_568[%parallel_loop3A_569, %parallel_loop3A_570, %parallel_loop3A_571] {strides = array<i32>} : memref<4x4x1024xf32, #tpu.memory_space<vmem>>, vector<1x1x16xf32>,
            %parallel_loop3A_573 = vector.shape_cast %parallel_loop3A_572 : vector<1x1x16xf32> to vector<16xf32>
            %parallel_loop3A_574 = vector.shape_cast %parallel_loop3A_562 : vector<16xf32> to vector<1x1x16xf32>
            tpu.vector_store %parallel_loop3A_568[%parallel_loop3A_569, %parallel_loop3A_570, %parallel_loop3A_571], %parallel_loop3A_574 {strides = array<i32>} : memref<4x4x1024xf32, #tpu.memory_space<vmem>>, vector<1x1x16xf32>,
            %parallel_loop3A_575 = arith.constant 2 : i32
            %parallel_loop3A_576 = arith.constant 0 : i32
            %parallel_loop3A_577 = arith.constant 0 : i32
            %parallel_loop3A_578 = arith.constant 0 : i32
            %parallel_loop3A_579 = tpu.memref_slice %run_scoped3A[%rem3A_397, %parallel_loop3A_576, %parallel_loop3A_577, %parallel_loop3A_578] : memref<5x4x4x1024xf32, #tpu.memory_space<vmem>> -> memref<1x4x4x1024xf32, #tpu.memory_space<vmem>>
            %parallel_loop3A_580 = tpu.memref_squeeze %parallel_loop3A_579 : memref<1x4x4x1024xf32, #tpu.memory_space<vmem>> -> memref<4x4x1024xf32, #tpu.memory_space<vmem>>
            %parallel_loop3A_581 = arith.index_cast %parallel_loop3A_575 : i32 to index
            %parallel_loop3A_582 = arith.index_cast %add3A_515 : i32 to index
            %parallel_loop3A_583 = arith.index_cast %parallel_loop3A_518 : i32 to index
            %parallel_loop3A_584 = tpu.vector_load %parallel_loop3A_580[%parallel_loop3A_581, %parallel_loop3A_582, %parallel_loop3A_583] {strides = array<i32>} : memref<4x4x1024xf32, #tpu.memory_space<vmem>>, vector<1x1x16xf32>,
            %parallel_loop3A_585 = vector.shape_cast %parallel_loop3A_584 : vector<1x1x16xf32> to vector<16xf32>
            %parallel_loop3A_586 = arith.addf %parallel_loop3A_585, %parallel_loop3A_526 : vector<16xf32>
            %parallel_loop3A_587 = arith.constant 2 : i32
            %parallel_loop3A_588 = arith.constant 0 : i32
            %parallel_loop3A_589 = arith.constant 0 : i32
            %parallel_loop3A_590 = arith.constant 0 : i32
            %parallel_loop3A_591 = tpu.memref_slice %run_scoped3A_10[%rem3A_401, %parallel_loop3A_588, %parallel_loop3A_589, %parallel_loop3A_590] : memref<2x4x4x1024xf32, #tpu.memory_space<vmem>> -> memref<1x4x4x1024xf32, #tpu.memory_space<vmem>>
            %parallel_loop3A_592 = tpu.memref_squeeze %parallel_loop3A_591 : memref<1x4x4x1024xf32, #tpu.memory_space<vmem>> -> memref<4x4x1024xf32, #tpu.memory_space<vmem>>
            %parallel_loop3A_593 = arith.index_cast %parallel_loop3A_587 : i32 to index
            %parallel_loop3A_594 = arith.index_cast %add3A_515 : i32 to index
            %parallel_loop3A_595 = arith.index_cast %parallel_loop3A_518 : i32 to index
            %parallel_loop3A_596 = tpu.vector_load %parallel_loop3A_592[%parallel_loop3A_593, %parallel_loop3A_594, %parallel_loop3A_595] {strides = array<i32>} : memref<4x4x1024xf32, #tpu.memory_space<vmem>>, vector<1x1x16xf32>,
            %parallel_loop3A_597 = vector.shape_cast %parallel_loop3A_596 : vector<1x1x16xf32> to vector<16xf32>
            %parallel_loop3A_598 = vector.shape_cast %parallel_loop3A_586 : vector<16xf32> to vector<1x1x16xf32>
            tpu.vector_store %parallel_loop3A_592[%parallel_loop3A_593, %parallel_loop3A_594, %parallel_loop3A_595], %parallel_loop3A_598 {strides = array<i32>} : memref<4x4x1024xf32, #tpu.memory_space<vmem>>, vector<1x1x16xf32>,
            %parallel_loop3A_599 = arith.constant 3 : i32
            %parallel_loop3A_600 = arith.constant 0 : i32
            %parallel_loop3A_601 = arith.constant 0 : i32
            %parallel_loop3A_602 = arith.constant 0 : i32
            %parallel_loop3A_603 = tpu.memref_slice %run_scoped3A[%rem3A_397, %parallel_loop3A_600, %parallel_loop3A_601, %parallel_loop3A_602] : memref<5x4x4x1024xf32, #tpu.memory_space<vmem>> -> memref<1x4x4x1024xf32, #tpu.memory_space<vmem>>
            %parallel_loop3A_604 = tpu.memref_squeeze %parallel_loop3A_603 : memref<1x4x4x1024xf32, #tpu.memory_space<vmem>> -> memref<4x4x1024xf32, #tpu.memory_space<vmem>>
            %parallel_loop3A_605 = arith.index_cast %parallel_loop3A_599 : i32 to index
            %parallel_loop3A_606 = arith.index_cast %add3A_515 : i32 to index
            %parallel_loop3A_607 = arith.index_cast %parallel_loop3A_518 : i32 to index
            %parallel_loop3A_608 = tpu.vector_load %parallel_loop3A_604[%parallel_loop3A_605, %parallel_loop3A_606, %parallel_loop3A_607] {strides = array<i32>} : memref<4x4x1024xf32, #tpu.memory_space<vmem>>, vector<1x1x16xf32>,
            %parallel_loop3A_609 = vector.shape_cast %parallel_loop3A_608 : vector<1x1x16xf32> to vector<16xf32>
            %parallel_loop3A_610 = arith.addf %parallel_loop3A_609, %parallel_loop3A_526 : vector<16xf32>
            %parallel_loop3A_611 = arith.constant 3 : i32
            %parallel_loop3A_612 = arith.constant 0 : i32
            %parallel_loop3A_613 = arith.constant 0 : i32
            %parallel_loop3A_614 = arith.constant 0 : i32
            %parallel_loop3A_615 = tpu.memref_slice %run_scoped3A_10[%rem3A_401, %parallel_loop3A_612, %parallel_loop3A_613, %parallel_loop3A_614] : memref<2x4x4x1024xf32, #tpu.memory_space<vmem>> -> memref<1x4x4x1024xf32, #tpu.memory_space<vmem>>
            %parallel_loop3A_616 = tpu.memref_squeeze %parallel_loop3A_615 : memref<1x4x4x1024xf32, #tpu.memory_space<vmem>> -> memref<4x4x1024xf32, #tpu.memory_space<vmem>>
            %parallel_loop3A_617 = arith.index_cast %parallel_loop3A_611 : i32 to index
            %parallel_loop3A_618 = arith.index_cast %add3A_515 : i32 to index
            %parallel_loop3A_619 = arith.index_cast %parallel_loop3A_518 : i32 to index
            %parallel_loop3A_620 = tpu.vector_load %parallel_loop3A_616[%parallel_loop3A_617, %parallel_loop3A_618, %parallel_loop3A_619] {strides = array<i32>} : memref<4x4x1024xf32, #tpu.memory_space<vmem>>, vector<1x1x16xf32>,
            %parallel_loop3A_621 = vector.shape_cast %parallel_loop3A_620 : vector<1x1x16xf32> to vector<16xf32>
            %parallel_loop3A_622 = vector.shape_cast %parallel_loop3A_610 : vector<16xf32> to vector<1x1x16xf32>
            tpu.vector_store %parallel_loop3A_616[%parallel_loop3A_617, %parallel_loop3A_618, %parallel_loop3A_619], %parallel_loop3A_622 {strides = array<i32>} : memref<4x4x1024xf32, #tpu.memory_space<vmem>>, vector<1x1x16xf32>,
          } {sc.loop_unroll_factor = 8 : i64, sc.parallel_access}
        }
        %scan3A_406 = arith.constant 4 : i32
        "tpu.trace_stop"() : () -> ()
        %ne3A_407 = arith.cmpi ne, %add3A_270, %add3A_288 : i32
        %or3A_408 = arith.constant false
        %or3A_409 = arith.ori %or3A_408, %ne3A_407 : i1
        %or3A_410 = arith.constant false
        %or3A_411 = arith.ori %or3A_409, %or3A_410 : i1
        %or3A_412 = arith.ori %or3A_411, %eq3A_269 : i1
        %convert_element_type3A_413 = arith.extui %or3A_412 : i1 to i32
        %cond3A_414 = arith.constant 0 : i32
        %cond3A_415 = arith.cmpi ne, %convert_element_type3A_413, %cond3A_414 : i32
        scf.if %cond3A_415 {
        } else {
        }
        %and3A_416 = arith.constant false
        %and3A_417 = arith.andi %or3A_412, %and3A_416 : i1
        %ne3A_418 = arith.cmpi ne, %add3A_270, %add3A_288 : i32
        %or3A_419 = arith.constant false
        %or3A_420 = arith.ori %or3A_419, %ne3A_418 : i1
        %or3A_421 = arith.constant false
        %or3A_422 = arith.ori %or3A_420, %or3A_421 : i1
        %or3A_423 = arith.ori %or3A_422, %eq3A_269 : i1
        %convert_element_type3A_424 = arith.extui %or3A_423 : i1 to i32
        %cond3A_425 = arith.constant 0 : i32
        %cond3A_426 = arith.cmpi ne, %convert_element_type3A_424, %cond3A_425 : i32
        scf.if %cond3A_426 {
        } else {
        }
        %and3A_427 = arith.constant false
        %and3A_428 = arith.andi %or3A_423, %and3A_427 : i1
        %ne3A_429 = arith.cmpi ne, %add3A_270, %add3A_288 : i32
        %or3A_430 = arith.constant false
        %or3A_431 = arith.ori %or3A_430, %ne3A_429 : i1
        %or3A_432 = arith.constant false
        %or3A_433 = arith.ori %or3A_431, %or3A_432 : i1
        %or3A_434 = arith.ori %or3A_433, %eq3A_269 : i1
        %convert_element_type3A_435 = arith.extui %or3A_434 : i1 to i32
        %cond3A_436 = arith.constant 0 : i32
        %cond3A_437 = arith.cmpi ne, %convert_element_type3A_435, %cond3A_436 : i32
        scf.if %cond3A_437 {
          "tpu.trace_start"() <{level = 10 : i32, message = "ep_copy_out"}> : () -> ()
          %rem3A_511 = arith.constant 2 : i32
          %rem3A_512 = arith.remui %scan3A_263, %rem3A_511 : i32
          %mul3A_513 = arith.constant 4 : i32
          %mul3A_514 = arith.muli %mul3A_513, %add3A_270 : i32
          %dma_start3A_515 = arith.constant 0 : i32
          %dma_start3A_516 = arith.constant 0 : i32
          %dma_start3A_517 = arith.constant 0 : i32
          %dma_start3A_518 = tpu.memref_slice %run_scoped3A_10[%rem3A_512, %dma_start3A_515, %dma_start3A_516, %dma_start3A_517] : memref<2x4x4x1024xf32, #tpu.memory_space<vmem>> -> memref<1x4x4x1024xf32, #tpu.memory_space<vmem>>
          %dma_start3A_519 = tpu.memref_squeeze %dma_start3A_518 : memref<1x4x4x1024xf32, #tpu.memory_space<vmem>> -> memref<4x4x1024xf32, #tpu.memory_space<vmem>>
          %dma_start3A_520 = arith.constant 0 : i32
          %dma_start3A_521 = arith.constant 0 : i32
          %dma_start3A_522 = tpu.memref_slice %arg4[%dma_start3A_520, %mul3A_514, %dma_start3A_521] : memref<4x4096x1024xf32, #tpu.memory_space<hbm>> -> memref<4x4x1024xf32, #tpu.memory_space<hbm>>
          %dma_start3A_523 = tpu.memref_slice %run_scoped3A_11[%rem3A_512] : memref<2x!tpu.dma_semaphore, #tpu.memory_space<semaphore_mem>> -> memref<1x!tpu.dma_semaphore, #tpu.memory_space<semaphore_mem>>
          %dma_start3A_524 = tpu.memref_squeeze %dma_start3A_523 : memref<1x!tpu.dma_semaphore, #tpu.memory_space<semaphore_mem>> -> memref<!tpu.dma_semaphore, #tpu.memory_space<semaphore_mem>>
          %dma_start3A_525 = arith.constant 0 : i32
          %dma_start3A_526 = arith.constant 0 : i32
          %dma_start3A_527 = tpu.memref_slice %arg4[%dma_start3A_525, %mul3A_514, %dma_start3A_526] : memref<4x4096x1024xf32, #tpu.memory_space<hbm>> -> memref<4x4x1024xf32, #tpu.memory_space<hbm>>
          %dma_start3A_528 = arith.constant 0 : i32
          %dma_start3A_529 = arith.constant 0 : i32
          %dma_start3A_530 = arith.constant 0 : i32
          %dma_start3A_531 = tpu.memref_slice %run_scoped3A_10[%rem3A_512, %dma_start3A_528, %dma_start3A_529, %dma_start3A_530] : memref<2x4x4x1024xf32, #tpu.memory_space<vmem>> -> memref<1x4x4x1024xf32, #tpu.memory_space<vmem>>
          %dma_start3A_532 = tpu.memref_squeeze %dma_start3A_531 : memref<1x4x4x1024xf32, #tpu.memory_space<vmem>> -> memref<4x4x1024xf32, #tpu.memory_space<vmem>>
          tpu.enqueue_dma source(%dma_start3A_532 : memref<4x4x1024xf32, #tpu.memory_space<vmem>>) target(%dma_start3A_527 : memref<4x4x1024xf32, #tpu.memory_space<hbm>>) target_semaphore(%dma_start3A_524 : memref<!tpu.dma_semaphore, #tpu.memory_space<semaphore_mem>>)
          "tpu.trace_stop"() : () -> ()
        } else {
        }
        %and3A_438 = arith.constant true
        %and3A_439 = arith.andi %or3A_434, %and3A_438 : i1
        %add3A_440 = arith.constant 1 : i32
        %add3A_441 = arith.addi %scan3A_263, %add3A_440 : i32
        %select_n3A_442 = arith.select %and3A_439, %add3A_441, %scan3A_263 : i32
        %ne3A_443 = arith.cmpi ne, %add3A_270, %add3A_279 : i32
        %or3A_444 = arith.constant false
        %or3A_445 = arith.ori %or3A_444, %ne3A_443 : i1
        %or3A_446 = arith.constant false
        %or3A_447 = arith.ori %or3A_445, %or3A_446 : i1
        %not3A_448 = arith.constant true
        %not3A_449 = arith.xori %eq3A_267, %not3A_448 : i1
        %and3A_450 = arith.andi %or3A_447, %not3A_449 : i1
        %convert_element_type3A_451 = arith.extui %and3A_450 : i1 to i32
        %cond3A_452 = arith.constant 0 : i32
        %cond3A_453 = arith.cmpi ne, %convert_element_type3A_451, %cond3A_452 : i32
        scf.if %cond3A_453 {
        } else {
        }
        %and3A_454 = arith.constant false
        %and3A_455 = arith.andi %and3A_450, %and3A_454 : i1
        %ne3A_456 = arith.cmpi ne, %add3A_270, %add3A_279 : i32
        %or3A_457 = arith.constant false
        %or3A_458 = arith.ori %or3A_457, %ne3A_456 : i1
        %or3A_459 = arith.constant false
        %or3A_460 = arith.ori %or3A_458, %or3A_459 : i1
        %not3A_461 = arith.constant true
        %not3A_462 = arith.xori %eq3A_267, %not3A_461 : i1
        %and3A_463 = arith.andi %or3A_460, %not3A_462 : i1
        %convert_element_type3A_464 = arith.extui %and3A_463 : i1 to i32
        %cond3A_465 = arith.constant 0 : i32
        %cond3A_466 = arith.cmpi ne, %convert_element_type3A_464, %cond3A_465 : i32
        scf.if %cond3A_466 {
        } else {
        }
        %and3A_467 = arith.constant false
        %and3A_468 = arith.andi %and3A_463, %and3A_467 : i1
        %ne3A_469 = arith.cmpi ne, %add3A_270, %add3A_279 : i32
        %or3A_470 = arith.constant false
        %or3A_471 = arith.ori %or3A_470, %ne3A_469 : i1
        %or3A_472 = arith.constant false
        %or3A_473 = arith.ori %or3A_471, %or3A_472 : i1
        %not3A_474 = arith.constant true
        %not3A_475 = arith.xori %eq3A_267, %not3A_474 : i1
        %and3A_476 = arith.andi %or3A_473, %not3A_475 : i1
        %convert_element_type3A_477 = arith.extui %and3A_476 : i1 to i32
        %cond3A_478 = arith.constant 0 : i32
        %cond3A_479 = arith.cmpi ne, %convert_element_type3A_477, %cond3A_478 : i32
        scf.if %cond3A_479 {
          "tpu.trace_start"() <{level = 10 : i32, message = "ep_wait_out"}> : () -> ()
          %rem3A_511 = arith.constant 2 : i32
          %rem3A_512 = arith.remui %scan3A_264, %rem3A_511 : i32
          %mul3A_513 = arith.constant 4 : i32
          %mul3A_514 = arith.muli %mul3A_513, %add3A_279 : i32
          %dma_wait3A_515 = arith.constant 0 : i32
          %dma_wait3A_516 = arith.constant 0 : i32
          %dma_wait3A_517 = arith.constant 0 : i32
          %dma_wait3A_518 = tpu.memref_slice %run_scoped3A_10[%rem3A_512, %dma_wait3A_515, %dma_wait3A_516, %dma_wait3A_517] : memref<2x4x4x1024xf32, #tpu.memory_space<vmem>> -> memref<1x4x4x1024xf32, #tpu.memory_space<vmem>>
          %dma_wait3A_519 = tpu.memref_squeeze %dma_wait3A_518 : memref<1x4x4x1024xf32, #tpu.memory_space<vmem>> -> memref<4x4x1024xf32, #tpu.memory_space<vmem>>
          %dma_wait3A_520 = arith.constant 0 : i32
          %dma_wait3A_521 = arith.constant 0 : i32
          %dma_wait3A_522 = tpu.memref_slice %arg4[%dma_wait3A_520, %mul3A_514, %dma_wait3A_521] : memref<4x4096x1024xf32, #tpu.memory_space<hbm>> -> memref<4x4x1024xf32, #tpu.memory_space<hbm>>
          %dma_wait3A_523 = tpu.memref_slice %run_scoped3A_11[%rem3A_512] : memref<2x!tpu.dma_semaphore, #tpu.memory_space<semaphore_mem>> -> memref<1x!tpu.dma_semaphore, #tpu.memory_space<semaphore_mem>>
          %dma_wait3A_524 = tpu.memref_squeeze %dma_wait3A_523 : memref<1x!tpu.dma_semaphore, #tpu.memory_space<semaphore_mem>> -> memref<!tpu.dma_semaphore, #tpu.memory_space<semaphore_mem>>
          %dma_wait3A_525 = arith.constant 0 : i32
          %dma_wait3A_526 = arith.constant 0 : i32
          %dma_wait3A_527 = tpu.memref_slice %arg4[%dma_wait3A_525, %mul3A_514, %dma_wait3A_526] : memref<4x4096x1024xf32, #tpu.memory_space<hbm>> -> memref<4x4x1024xf32, #tpu.memory_space<hbm>>
          %dma_wait3A_528 = arith.constant 0 : i32
          %dma_wait3A_529 = arith.constant 0 : i32
          %dma_wait3A_530 = arith.constant 0 : i32
          %dma_wait3A_531 = tpu.memref_slice %run_scoped3A_10[%rem3A_512, %dma_wait3A_528, %dma_wait3A_529, %dma_wait3A_530] : memref<2x4x4x1024xf32, #tpu.memory_space<vmem>> -> memref<1x4x4x1024xf32, #tpu.memory_space<vmem>>
          %dma_wait3A_532 = tpu.memref_squeeze %dma_wait3A_531 : memref<1x4x4x1024xf32, #tpu.memory_space<vmem>> -> memref<4x4x1024xf32, #tpu.memory_space<vmem>>
          tpu.wait_dma2 semaphore(%dma_wait3A_524 : memref<!tpu.dma_semaphore, #tpu.memory_space<semaphore_mem>>) src(%dma_wait3A_532 : memref<4x4x1024xf32, #tpu.memory_space<vmem>>) dst(%dma_wait3A_527 : memref<4x4x1024xf32, #tpu.memory_space<hbm>>)
          "tpu.trace_stop"() : () -> ()
        } else {
        }
        %and3A_480 = arith.constant true
        %and3A_481 = arith.andi %and3A_476, %and3A_480 : i1
        %add3A_482 = arith.constant 1 : i32
        %add3A_483 = arith.addi %scan3A_264, %add3A_482 : i32
        %select_n3A_484 = arith.select %and3A_481, %add3A_483, %scan3A_264 : i32
        %ne3A_485 = arith.cmpi ne, %add3A_270, %add3A_288 : i32
        %or3A_486 = arith.constant false
        %or3A_487 = arith.ori %or3A_486, %ne3A_485 : i1
        %or3A_488 = arith.constant false
        %or3A_489 = arith.ori %or3A_487, %or3A_488 : i1
        %or3A_490 = arith.ori %or3A_489, %eq3A_269 : i1
        %add3A_491 = arith.constant 1 : i32
        %add3A_492 = arith.addi %scan3A_260, %add3A_491 : i32
        %select_n3A_493 = arith.select %or3A_490, %add3A_492, %scan3A_260 : i32
        %ne3A_494 = arith.cmpi ne, %add3A_270, %add3A_288 : i32
        %or3A_495 = arith.constant false
        %or3A_496 = arith.ori %or3A_495, %ne3A_494 : i1
        %or3A_497 = arith.constant false
        %or3A_498 = arith.ori %or3A_496, %or3A_497 : i1
        %or3A_499 = arith.ori %or3A_498, %eq3A_269 : i1
        %add3A_500 = arith.constant 1 : i32
        %add3A_501 = arith.addi %scan3A_262, %add3A_500 : i32
        %select_n3A_502 = arith.select %or3A_499, %add3A_501, %scan3A_262 : i32
        %add3A_503 = arith.constant 1 : i32
        %add3A_504 = arith.addi %scan3A_265, %add3A_503 : i32
        %select_n3A_505 = arith.constant true
        %select_n3A_506 = arith.select %select_n3A_505, %add3A_504, %scan3A_265 : i32
        %eq3A_507 = arith.constant 32 : i32
        %eq3A_508 = arith.cmpi eq, %select_n3A_506, %eq3A_507 : i32
        %select_n3A_509 = arith.constant 0 : i32
        %select_n3A_510 = arith.select %eq3A_508, %select_n3A_509, %select_n3A_506 : i32
        scf.yield %select_n3A_340, %select_n3A_493, %select_n3A_358, %select_n3A_502, %select_n3A_442, %select_n3A_484, %select_n3A_510 : i32, i32, i32, i32, i32, i32, i32
      }
      %scan3A_174 = arith.constant 32 : i32
      %sub3A = arith.constant 1 : i32
      %sub3A_175 = arith.subi %scan3A_173#6, %sub3A : i32
      %select_n3A_176 = arith.constant true
      %select_n3A_177 = arith.select %select_n3A_176, %sub3A_175, %scan3A_173#6 : i32
      %eq3A_178 = arith.constant -1 : i32
      %eq3A_179 = arith.cmpi eq, %select_n3A_177, %eq3A_178 : i32
      %select_n3A_180 = arith.constant 31 : i32
      %select_n3A_181 = arith.select %eq3A_179, %select_n3A_180, %select_n3A_177 : i32
      %add3A_182 = arith.addi %select_n3A_181, %mul3A_6 : i32
      %sub3A_183 = arith.constant 1 : i32
      %sub3A_184 = arith.subi %select_n3A_181, %sub3A_183 : i32
      %select_n3A_185 = arith.constant true
      %select_n3A_186 = arith.select %select_n3A_185, %sub3A_184, %select_n3A_181 : i32
      %eq3A_187 = arith.constant -1 : i32
      %eq3A_188 = arith.cmpi eq, %select_n3A_186, %eq3A_187 : i32
      %select_n3A_189 = arith.constant 31 : i32
      %select_n3A_190 = arith.select %eq3A_188, %select_n3A_189, %select_n3A_186 : i32
      %add3A_191 = arith.addi %select_n3A_190, %mul3A_6 : i32
      %add3A_192 = arith.constant 1 : i32
      %add3A_193 = arith.addi %select_n3A_181, %add3A_192 : i32
      %select_n3A_194 = arith.constant true
      %select_n3A_195 = arith.select %select_n3A_194, %add3A_193, %select_n3A_181 : i32
      %eq3A_196 = arith.constant 32 : i32
      %eq3A_197 = arith.cmpi eq, %select_n3A_195, %eq3A_196 : i32
      %select_n3A_198 = arith.constant 0 : i32
      %select_n3A_199 = arith.select %eq3A_197, %select_n3A_198, %select_n3A_195 : i32
      %add3A_200 = arith.addi %select_n3A_199, %mul3A_6 : i32
      %add3A_201 = arith.constant 1 : i32
      %add3A_202 = arith.addi %select_n3A_199, %add3A_201 : i32
      %select_n3A_203 = arith.constant true
      %select_n3A_204 = arith.select %select_n3A_203, %add3A_202, %select_n3A_199 : i32
      %eq3A_205 = arith.constant 32 : i32
      %eq3A_206 = arith.cmpi eq, %select_n3A_204, %eq3A_205 : i32
      %select_n3A_207 = arith.constant 0 : i32
      %select_n3A_208 = arith.select %eq3A_206, %select_n3A_207, %select_n3A_204 : i32
      %add3A_209 = arith.addi %select_n3A_208, %mul3A_6 : i32
      %add3A_210 = arith.constant 1 : i32
      %add3A_211 = arith.addi %select_n3A_208, %add3A_210 : i32
      %select_n3A_212 = arith.constant true
      %select_n3A_213 = arith.select %select_n3A_212, %add3A_211, %select_n3A_208 : i32
      %eq3A_214 = arith.constant 32 : i32
      %eq3A_215 = arith.cmpi eq, %select_n3A_213, %eq3A_214 : i32
      %select_n3A_216 = arith.constant 0 : i32
      %select_n3A_217 = arith.select %eq3A_215, %select_n3A_216, %select_n3A_213 : i32
      %add3A_218 = arith.addi %select_n3A_217, %mul3A_6 : i32
      %add3A_219 = arith.constant 1 : i32
      %add3A_220 = arith.addi %select_n3A_217, %add3A_219 : i32
      %select_n3A_221 = arith.constant true
      %select_n3A_222 = arith.select %select_n3A_221, %add3A_220, %select_n3A_217 : i32
      %eq3A_223 = arith.constant 32 : i32
      %eq3A_224 = arith.cmpi eq, %select_n3A_222, %eq3A_223 : i32
      %select_n3A_225 = arith.constant 0 : i32
      %select_n3A_226 = arith.select %eq3A_224, %select_n3A_225, %select_n3A_222 : i32
      %add3A_227 = arith.addi %select_n3A_226, %mul3A_6 : i32
      %add3A_228 = arith.constant 1 : i32
      %add3A_229 = arith.addi %select_n3A_226, %add3A_228 : i32
      %select_n3A_230 = arith.constant true
      %select_n3A_231 = arith.select %select_n3A_230, %add3A_229, %select_n3A_226 : i32
      %eq3A_232 = arith.constant 32 : i32
      %eq3A_233 = arith.cmpi eq, %select_n3A_231, %eq3A_232 : i32
      %select_n3A_234 = arith.constant 0 : i32
      %select_n3A_235 = arith.select %eq3A_233, %select_n3A_234, %select_n3A_231 : i32
      %add3A_236 = arith.addi %select_n3A_235, %mul3A_6 : i32
      "tpu.trace_start"() <{level = 10 : i32, message = "ep_finalize"}> : () -> ()
      %rem3A_237 = arith.constant 2 : i32
      %rem3A_238 = arith.remui %scan3A_173#5, %rem3A_237 : i32
      %mul3A_239 = arith.constant 4 : i32
      %mul3A_240 = arith.muli %mul3A_239, %add3A_182 : i32
      %dma_wait3A = arith.constant 0 : i32
      %dma_wait3A_241 = arith.constant 0 : i32
      %dma_wait3A_242 = arith.constant 0 : i32
      %dma_wait3A_243 = tpu.memref_slice %run_scoped3A_10[%rem3A_238, %dma_wait3A, %dma_wait3A_241, %dma_wait3A_242] : memref<2x4x4x1024xf32, #tpu.memory_space<vmem>> -> memref<1x4x4x1024xf32, #tpu.memory_space<vmem>>
      %dma_wait3A_244 = tpu.memref_squeeze %dma_wait3A_243 : memref<1x4x4x1024xf32, #tpu.memory_space<vmem>> -> memref<4x4x1024xf32, #tpu.memory_space<vmem>>
      %dma_wait3A_245 = arith.constant 0 : i32
      %dma_wait3A_246 = arith.constant 0 : i32
      %dma_wait3A_247 = tpu.memref_slice %arg4[%dma_wait3A_245, %mul3A_240, %dma_wait3A_246] : memref<4x4096x1024xf32, #tpu.memory_space<hbm>> -> memref<4x4x1024xf32, #tpu.memory_space<hbm>>
      %dma_wait3A_248 = tpu.memref_slice %run_scoped3A_11[%rem3A_238] : memref<2x!tpu.dma_semaphore, #tpu.memory_space<semaphore_mem>> -> memref<1x!tpu.dma_semaphore, #tpu.memory_space<semaphore_mem>>
      %dma_wait3A_249 = tpu.memref_squeeze %dma_wait3A_248 : memref<1x!tpu.dma_semaphore, #tpu.memory_space<semaphore_mem>> -> memref<!tpu.dma_semaphore, #tpu.memory_space<semaphore_mem>>
      %dma_wait3A_250 = arith.constant 0 : i32
      %dma_wait3A_251 = arith.constant 0 : i32
      %dma_wait3A_252 = tpu.memref_slice %arg4[%dma_wait3A_250, %mul3A_240, %dma_wait3A_251] : memref<4x4096x1024xf32, #tpu.memory_space<hbm>> -> memref<4x4x1024xf32, #tpu.memory_space<hbm>>
      %dma_wait3A_253 = arith.constant 0 : i32
      %dma_wait3A_254 = arith.constant 0 : i32
      %dma_wait3A_255 = arith.constant 0 : i32
      %dma_wait3A_256 = tpu.memref_slice %run_scoped3A_10[%rem3A_238, %dma_wait3A_253, %dma_wait3A_254, %dma_wait3A_255] : memref<2x4x4x1024xf32, #tpu.memory_space<vmem>> -> memref<1x4x4x1024xf32, #tpu.memory_space<vmem>>
      %dma_wait3A_257 = tpu.memref_squeeze %dma_wait3A_256 : memref<1x4x4x1024xf32, #tpu.memory_space<vmem>> -> memref<4x4x1024xf32, #tpu.memory_space<vmem>>
      tpu.wait_dma2 semaphore(%dma_wait3A_249 : memref<!tpu.dma_semaphore, #tpu.memory_space<semaphore_mem>>) src(%dma_wait3A_257 : memref<4x4x1024xf32, #tpu.memory_space<vmem>>) dst(%dma_wait3A_252 : memref<4x4x1024xf32, #tpu.memory_space<hbm>>)
      "tpu.trace_stop"() : () -> ()
      tpu.yield
    }) : () -> ()
    return
  }
}

</mosaic_0001>

<sc_bundles>
// kernel: kernel.3.cloned.1.call-start
scs
__scs_entry_jumppad:
0x0: {  	(pc) =	sbr.rel $0x88, $3  }
0x1: {  	(tag) =	ssettag $0x0;
	lr =	simm.s32 $0x1  }
0x2: {  	[smem:$0x3F9F] =	sst lr;
	_ =	strace $0xD0000000  }
0x3: {  	_ = 	snop  }
0x4: {  	_ = 	snop  }
0x5: {  	_ = 	snop  }
0x6: {  	_ = 	snop  }
0x7: {  	_ = 	snop  }
__scs_overlays_trampoline_lowered:
0x8: {  	[smem:$0x3FAE] =	sst s0  }
0x9: {  	[smem:$0x3FAF] =	sst s1  }
0xa: {  	[smem:$0x3FB0] =	sst s2  }
0xb: {  	[smem:$0x3FB1] =	sst s3  }
0xc: {  	[smem:$0x3FB2] =	sst s4  }
0xd: {  	[smem:$0x3FB3] =	sst s5  }
0xe: {  	[smem:$0x3FB4] =	sst s6  }
0xf: {  	[smem:$0x3FB5] =	sst s7  }
0x10: {  	[smem:$0x3FB6] =	sst s8  }
0x11: {  	[smem:$0x3FB7] =	sst s9;
	s0 =	simm.s32 @!p0 $0x0  }
0x12: {  	s1 =	sld [smem:$0x3F9D];
	s0 =	simm.s32 @p0 $0x1  }
0x13: {  	[smem:$0x3FB8] =	sst s0;
	s0 =	simm.s32 @!p1 $0x0  }
0x14: {  	s2 =	sld [smem:$0x3F9C];
	s0 =	simm.s32 @p1 $0x1  }
0x15: {  	[smem:$0x3FB9] =	sst s0;
	s0 =	simm.s32 @!p2 $0x0  }
0x16: {  	s3 =	sld [smem:$0x3FDB];
	s0 =	simm.s32 @p2 $0x1  }
0x17: {  	s4 =	simm.s32 $0x1BF5;
	[smem:$0x3FBB] =	sst s0  }
0x18: {  	s0 =	sld [smem:$0x3F9E];
	_ =	swait.ge [sflag:s4], $0x0  }
0x19: {  	s7 =	sld [smem:$0x3F9F]  }
0x1a: {  	s8 =	sadd.s32 $0xFFFFE003, lr  }
0x1b: {  	s9 =	sadd.s32 $0xFFFFFEF7, lr;
	s5 =	simm.s32 $0xFFFFFFFF;
	p2 =	slt.u32 s8, $0xFFFFF086  }
0x1c: {  	p1 =	slt.u32 s9, $0xF7A;
	s5 =	simm.s32 @!p2 $0x0  }
0x1d: {  	s5 =	simm.s32 @p1 $0x1;
	p0 =	seq.s32 s7, s2  }
0x1e: {  	s7 =	smul.u32 @!p0 $0xF7A, s2;
	p2 =	seq.s32 @!p0 s5, $0x0  }
0x1f: {  	s9 =	smul.u32 $0xF7A, s1;
	s8 =	simm.s32 @!p0 $0x1BF5;
	p2 =	por !p2, p0  }
0x20: {  	[sflag:s8] =	ssyncset.s32 @!p0 $0xFFFFF086;
	s6 =	sadd.s32 @!p0 s3, s7;
	s7 =	simm.s32 @!p0 $0x108  }
0x21: {  	s3 =	sadd.s32 s3, s9;
	s6 =	sadd.s32 @!p0 $0x88, s6;
	s7 =	simm.s32 @p2 $0x1082  }
0x22: {  	[simem:s7], [sflag:s8] =	dma.local @!p0 [hbm:s6], $0xF7A  }
0x23: {  	s9 =	sor.u32 $0xD0000000, s2;
	s6 =	simm.s32 $0x108;
	_ =	swait.ge @!p0 [sflag:s8], $0x0  }
0x24: {  	s3 =	sadd.s32 $0x88, s3;
	s6 =	simm.s32 @!p1 $0x1082;
	[sflag:s4] =	ssyncset.s32 $0xFFFFF086  }
0x25: {  	[simem:s6], [sflag:s4] =	dma.local [hbm:s3], $0xF7A  }
0x26: {  	[smem:$0x3F9F] =	sst s1;
	(tag) =	ssettag s2;
	_ =	strace s9  }
0x27: {  	s1 =	sld [smem:$0x3FAF]  }
0x28: {  	s2 =	sld [smem:$0x3FB0]  }
0x29: {  	s4 =	sld [smem:$0x3FB2]  }
0x2a: {  	p0 =	seq.s32 s5, $0x0;
	s5 =	sld [smem:$0x3FB3]  }
0x2b: {  	s6 =	sld [smem:$0x3FB4]  }
0x2c: {  	s7 =	sld [smem:$0x3FB5]  }
0x2d: {  	s3 =	simm.s32 $0x108;
	s8 =	sld [smem:$0x3FB6]  }
0x2e: {  	s3 =	simm.s32 @!p0 $0x1082;
	s9 =	sld [smem:$0x3FB7]  }
0x2f: {  	lr =	sadd.s32 s0, s3;
	s0 =	sld [smem:$0x3FAE]  }
0x30: {  	s3 =	sld [smem:$0x3FB1]  }
0x31: {  	[smem:$0x3FBA] =	sst s10  }
0x32: {  	s10 =	sld [smem:$0x3FB8];
	_ =	sdelay $0x3  }
0x33: {  	p0 =	seq.s32 s10, $0x1;
	s10 =	sld [smem:$0x3FBA];
	_ =	sdelay $0x3  }
0x34: {  	[smem:$0x3FBA] =	sst s10  }
0x35: {  	s10 =	sld [smem:$0x3FB9];
	_ =	sdelay $0x3  }
0x36: {  	p1 =	seq.s32 s10, $0x1;
	s10 =	sld [smem:$0x3FBA];
	_ =	sdelay $0x3  }
0x37: {  	[smem:$0x3FBA] =	sst s10  }
0x38: {  	s10 =	sld [smem:$0x3FBB]  }
0x39: {  	_ = 	snop;
	(pc) =	sbr.ind lr, $3  }
0x3a: {  	_ = 	snop  }
0x3b: {  	_ = 	snop  }
0x3c: {  	p2 =	seq.s32 s10, $0x1;
	s10 =	sld [smem:$0x3FBA]  }
0x3d: {  	_ =	shalt  }
0x3e: {  	_ =	shalt  }
0x3f: {  	_ =	shalt  }
0x40: {  	_ =	shalt  }
0x41: {  	_ =	shalt  }
0x42: {  	_ =	shalt  }
0x43: {  	_ =	shalt  }
0x44: {  	_ =	shalt  }
0x45: {  	_ =	shalt  }
0x46: {  	_ =	shalt  }
0x47: {  	_ =	shalt  }
0x48: {  	_ =	shalt  }
0x49: {  	_ =	shalt  }
0x4a: {  	_ =	shalt  }
0x4b: {  	_ =	shalt  }
0x4c: {  	_ =	shalt  }
0x4d: {  	_ =	shalt  }
0x4e: {  	_ =	shalt  }
0x4f: {  	_ =	shalt  }
0x50: {  	_ =	shalt  }
0x51: {  	_ =	shalt  }
0x52: {  	_ =	shalt  }
0x53: {  	_ =	shalt  }
0x54: {  	_ =	shalt  }
0x55: {  	_ =	shalt  }
0x56: {  	_ =	shalt  }
0x57: {  	_ =	shalt  }
0x58: {  	_ =	shalt  }
0x59: {  	_ =	shalt  }
0x5a: {  	_ =	shalt  }
0x5b: {  	_ =	shalt  }
0x5c: {  	_ =	shalt  }
0x5d: {  	_ =	shalt  }
0x5e: {  	_ =	shalt  }
0x5f: {  	_ =	shalt  }
0x60: {  	_ =	shalt  }
0x61: {  	_ =	shalt  }
0x62: {  	_ =	shalt  }
0x63: {  	_ =	shalt  }
0x64: {  	_ =	shalt  }
0x65: {  	_ =	shalt  }
0x66: {  	_ =	shalt  }
0x67: {  	_ =	shalt  }
0x68: {  	_ =	shalt  }
0x69: {  	_ =	shalt  }
0x6a: {  	_ =	shalt  }
0x6b: {  	_ =	shalt  }
0x6c: {  	_ =	shalt  }
0x6d: {  	_ =	shalt  }
0x6e: {  	_ =	shalt  }
0x6f: {  	_ =	shalt  }
0x70: {  	_ =	shalt  }
0x71: {  	_ =	shalt  }
0x72: {  	_ =	shalt  }
0x73: {  	_ =	shalt  }
0x74: {  	_ =	shalt  }
0x75: {  	_ =	shalt  }
0x76: {  	_ =	shalt  }
0x77: {  	_ =	shalt  }
0x78: {  	_ =	shalt  }
0x79: {  	_ =	shalt  }
0x7a: {  	_ =	shalt  }
0x7b: {  	_ =	shalt  }
0x7c: {  	_ =	shalt  }
0x7d: {  	_ =	shalt  }
0x7e: {  	_ =	shalt  }
0x7f: {  	_ =	shalt  }
0x80: {  	_ =	shalt  }
0x81: {  	_ =	shalt  }
0x82: {  	_ =	shalt  }
0x83: {  	_ =	shalt  }
0x84: {  	_ =	shalt  }
0x85: {  	_ =	shalt  }
0x86: {  	_ =	shalt  }
0x87: {  	_ =	shalt  }
.Lfunc_end0:
.L_simem_size_0:
called_computation_lowered:
.L_overlay_start_0:
0x88: {  	s2 =	sld [smem:$0x3FD9]  }
0x89: {  	s3 =	sld [smem:$0x3FFE];
	_ =	sdelay $0x1  }
0x8a: {  	s1 =	srdreg.scid  }
0x8b: {  	s0 =	sand.u32 $0x1, s1  }
0x8c: {  	s18 =	sshll.u32 s0, $0xA;
	s2 =	sadd.s32 s3, s2  }
0x8d: {  	s2 =	sadd.s32 s2, s18  }
0x8e: {  	[smem:$0x3FC6] =	sst s2  }
0x8f: {  	_ = 	snop  }
0x90: {  	s2 =	sld [smem:$0x3FC9]  }
0x91: {  	s19 =	sld [smem:$0x3FC8]  }
0x92: {  	s4 =	sld [smem:$0x3FD0];
	(tm) =	ssettm $0x1  }
0x93: {  	s5 =	sld [smem:$0x3FFB];
	_ =	sdelay $0x3  }
0x94: {  	_ =	strace s5  }
0x95: {  	s5 =	sld [smem:$0x3FFC];
	_ =	sdelay $0x3  }
0x96: {  	_ =	strace s5  }
0x97: {  	s5 =	sld [smem:$0x3FFD];
	_ =	sdelay $0x3  }
0x98: {  	_ =	strace s5  }
0x99: {  	_ =	strace $0x8FFFFFFF  }
0x9a: {  	s20 =	sld [smem:$0x3FDB];
	_ =	sdelay $0x1  }
0x9b: {  	s6 =	simm.s32 $_scs_section_size  }
0x9c: {  	s7 =	simm.s32 $_size__tile_overlayer_lowered;
	s8 =	simm.s32 $_tile_overlayer_lowered  }
0x9d: {  	s23 =	simm.s32 $0x1BFF;
	s22 =	sshll.u32 s8, $0x1;
	s5 =	sadd.s32 s6, s20  }
0x9e: {  	s9 =	simm.s32 $0x0;
	s21 =	sshll.u32 s7, $0x1;
	s7 =	sadd.s32 s22, s5  }
0x9f: {  	[timem:s9], [sflag:s23] =	dma.local [hbm:s7], s21  }
0xa0: {  	_ =	swait.ge [sflag:s23], s21  }
0xa1: {  	s6 =	ssub.s32 $0x0, s21;
	[sflag:s23] =	ssyncset.done $0x0  }
0xa2: {  	[sflag:s23] =	ssyncadd.s32 s6;
	_ =	sdelay $0x1  }
0xa3: {  	s24 =	simm.s32 $0x1B8B  }
0xa4: {  	_ =	swait.ge [sflag:s24], $0x1  }
0xa5: {  	[sflag:s24] =	ssyncset.done $0x0  }
0xa6: {  	s25 =	simm.s32 $0x1B8E;
	[sflag:s24] =	ssyncadd.s32 $0xFFFFFFFF  }
0xa7: {  	s26 =	simm.s32 $execute0_lowered;
	[smem:$0x3FD2] =	sst s25  }
0xa8: {  	s6 =	sshll.u32 s26, $0x1;
	_ =	strace $0x80000046;
	[dreg:$0x1] =	wrdreg $0xFFFFFFFF  }
0xa9: {  	s28 =	simm.s32 $_size_execute0_lowered;
	s5 =	sadd.s32 s5, s6;
	[dreg:$0x0] =	wrdreg $0x0  }
0xaa: {  	s6 =	sshll.u32 s28, $0x1;
	[dreg:$0x2] =	wrdreg s5  }
0xab: {  	[dreg:$0x3] =	wrdreg s6  }
0xac: {  	[dreg:$0x4] =	wrdreg $0xC0  }
0xad: {  	_ =	task [dreg:s9], $0x5FFFF  }
0xae: {  	[dreg:$0x1] =	wrdreg $0xFFFFFFFF  }
0xaf: {  	[dreg:$0x0] =	wrdreg $0x60  }
0xb0: {  	[dreg:$0x2] =	wrdreg s2  }
0xb1: {  	[dreg:$0x3] =	wrdreg s19  }
0xb2: {  	[dreg:$0x4] =	wrdreg s4  }
0xb3: {  	[dreg:$0x5] =	wrdreg $0x9  }
0xb4: {  	_ =	task.clear_ibuf [dreg:s9], $0x6FFFF;
	_ =	strace $0x90000046  }
0xb5: {  	s29 =	simm.s32 $0x9;
	_ =	strace $0x80000054  }
0xb6: {  	_ =	swait.ge [sflag:s29], $0x1  }
0xb7: {  	[sflag:s29] =	ssyncadd.s32 $0xFFFFFFFF  }
0xb8: {  	_ =	strace $0x90000054  }
0xb9: {  	_ =	sfence  }
0xba: {  	s30 =	sld [smem:$0x0];
	_ =	sdelay $0x2  }
0xbb: {  	s31 =	sshll.u32 s1, $0xD;
	s1 =	sshrl.u32 s1, $0x2  }
0xbc: {  	s3 =	sand.u32 $0x4000, s31;
	s1 =	sadd.s32 s1, s30  }
0xbd: {  	s0 =	sor.u32 s3, s0;
	s1 =	sshll.u32 s1, $0x11  }
0xbe: {  	s0 =	sor.u32 s1, s0  }
0xbf: {  	s0 =	sadd.s32 $0x8F2B, s0  }
0xc0: {  	[sflag:s0] =	ssyncadd.remote.s32 $0x1  }
0xc1: {  	_ =	sfence.sel $0xFFFF  }
0xc2: {  	[dreg:$0x0] =	wrdreg $0xFFFFFFFF;
	(pc) =	sbr.abs _section_cstart, $3  }
0xc3: {  	[dreg:$0x1] =	wrdreg $0xFFFFFFFF  }
0xc4: {  	_ =	task.clear_ibuf [dreg:s9], $0x2FFFF;
	_ =	strace $0x9FFFFFFF  }
0xc5: {  	(tm) =	ssettm $0x7FFFFFFF  }
tec
execute0_lowered:
.L_overlay_start_1:
0x0: {  	(tag) =	ssettag $0x1  }
0x1: {  	s1 =	rddreg [dreg:$0x0];
	s0 =	srdreg.scid  }
0x2: {  	s2 =	rddreg [dreg:$0x1];
	s0 =	sand.u32 $0x1, s0  }
0x3: {  	s6 =	stileid.u32;
	s22 =	ssub.s32 $0x2, s0;
	s0 =	sshll.u32 s0, $0x4  }
0x4: {  	s3 =	rddreg [dreg:$0x2];
	s4 =	simm.s32 $0x0;
	s0 =	sor.u32 s6, s0  }
0x5: {  	s5 =	sshrl.u32 s22, $0x1;
	s6 =	sshll.u32 s0, $0x5;
	s0 =	sshll.u32 s0, $0xE  }
0x6: {  	[smem:$0x7FF] =	sst s4;
	s4 =	ssub.s32 s22, s5;
	s7 =	sadd.s32 s2, s0  }
0x7: {  	_ =	strace $0x80000047;
	s26 =	smax.u32 s4, $0x1;
	[dreg:$0x5] =	wrdreg s7  }
0x8: {  	s23 =	sadd.s32 s1, s0;
	s0 =	sor.u32 $0x40, s0;
	[dreg:$0x9] =	wrdreg s26  }
0x9: {  	s24 =	sadd.s32 s1, s0;
	s0 =	sadd.s32 s2, s0;
	[dreg:$0x4] =	wrdreg s23  }
0xa: {  	s25 =	sadd.s32 $0x400, s23;
	[dreg:$0x7] =	wrdreg s0  }
0xb: {  	s28 =	sadd.s32 $0x80000, s23;
	[dreg:$0x8] =	wrdreg s25  }
0xc: {  	s29 =	sadd.s32 $0x100000, s23;
	[dreg:$0xa] =	wrdreg s28  }
0xd: {  	s30 =	sadd.s32 $0x180000, s23;
	[dreg:$0xb] =	wrdreg s29  }
0xe: {  	s14 =	simm.s32 $0x200;
	[dreg:$0xc] =	wrdreg s30  }
0xf: {  	s15 =	simm.s32 $0x400;
	[dreg:$0x6] =	wrdreg s24;
	s31 =	sadd.s32 $0x80000, s24  }
0x10: {  	s12 =	sadd.s32 $0x440, s23;
	s23 =	simm.s32 $0x0;
	[dreg:$0xd] =	wrdreg s31  }
.LBB2_1:
0x11: {  	_ =	strace $0x80000048  }
0x12: {  	s0 =	simm.s32 $0x0;
	s4 =	rddreg [dreg:$0x4]  }
0x13: {  	[tilespmem:s0], [sflag:$0x1] =	stream.strided.gather [hbm4b:s4+s14], $0x1000, s15, s14, $0x200038;
	[tilespmem:$0x1F000] =	vst v63  }
0x14: {  	s9 =	simm.s32 $0x1000;
	s8 =	rddreg [dreg:$0xa]  }
0x15: {  	[tilespmem:s9], [sflag:$0x1] =	stream.strided.gather [hbm4b:s8+s14], $0x1000, s15, s14, $0x200038;
	[tilespmem:$0x1F000] =	vst v63  }
0x16: {  	s11 =	simm.s32 $0x2000;
	s10 =	rddreg [dreg:$0xb]  }
0x17: {  	[tilespmem:s11], [sflag:$0x1] =	stream.strided.gather [hbm4b:s10+s14], $0x1000, s15, s14, $0x200038;
	[tilespmem:$0x1F000] =	vst v63  }
0x18: {  	s16 =	simm.s32 $0x3000;
	s13 =	rddreg [dreg:$0xc]  }
0x19: {  	[tilespmem:s16], [sflag:$0x1] =	stream.strided.gather [hbm4b:s13+s14], $0x1000, s15, s14, $0x200038;
	[tilespmem:$0x1F000] =	vst v63  }
0x1a: {  	s18 =	simm.s32 $0x14000;
	s17 =	rddreg [dreg:$0x5]  }
0x1b: {  	[tilespmem:s18], [sflag:$0x6] =	stream.strided.gather [hbm4b:s17+s14], $0x1000, s15, s14, $0x200038;
	[tilespmem:$0x1F000] =	vst v63  }
0x1c: {  	_ =	strace $0x90000048  }
0x1d: {  	_ =	strace $0x80000049  }
0x1e: {  	s20 =	simm.s32 $0x4000;
	s19 =	rddreg [dreg:$0x6]  }
0x1f: {  	[tilespmem:s20], [sflag:$0x2] =	stream.strided.gather [hbm4b:s19+s14], $0x1000, s15, s14, $0x200038;
	[tilespmem:$0x1F000] =	vst v63  }
0x20: {  	s5 =	simm.s32 $0x5000;
	s21 =	rddreg [dreg:$0xd]  }
0x21: {  	[tilespmem:s5], [sflag:$0x2] =	stream.strided.gather [hbm4b:s21+s14], $0x1000, s15, s14, $0x200038;
	[tilespmem:$0x1F000] =	vst v63  }
0x22: {  	s24 =	simm.s32 $0x6000;
	s22 =	sadd.s32 $0x100000, s19  }
0x23: {  	[tilespmem:s24], [sflag:$0x2] =	stream.strided.gather [hbm4b:s22+s14], $0x1000, s15, s14, $0x200038;
	[tilespmem:$0x1F000] =	vst v63  }
0x24: {  	s26 =	simm.s32 $0x7000;
	s25 =	sadd.s32 $0x180000, s19  }
0x25: {  	[tilespmem:s26], [sflag:$0x2] =	stream.strided.gather [hbm4b:s25+s14], $0x1000, s15, s14, $0x200038;
	[tilespmem:$0x1F000] =	vst v63  }
0x26: {  	s7 =	simm.s32 $0x15000;
	s5 =	rddreg [dreg:$0x7]  }
0x27: {  	[tilespmem:s7], [sflag:$0x7] =	stream.strided.gather [hbm4b:s5+s14], $0x1000, s15, s14, $0x200038;
	[tilespmem:$0x1F000] =	vst v63  }
0x28: {  	_ =	strace $0x90000049  }
0x29: {  	_ =	strace $0x8000004A  }
0x2a: {  	s9 =	simm.s32 $0x8000;
	s8 =	rddreg [dreg:$0x8]  }
0x2b: {  	[tilespmem:s9], [sflag:$0x3] =	stream.strided.gather [hbm4b:s8+s14], $0x1000, s15, s14, $0x200038;
	[tilespmem:$0x1F000] =	vst v63  }
0x2c: {  	s11 =	simm.s32 $0x9000;
	s10 =	sadd.s32 $0x80000, s8  }
0x2d: {  	[tilespmem:s11], [sflag:$0x3] =	stream.strided.gather [hbm4b:s10+s14], $0x1000, s15, s14, $0x200038;
	[tilespmem:$0x1F000] =	vst v63  }
0x2e: {  	s16 =	simm.s32 $0xA000;
	s13 =	sadd.s32 $0x100000, s8  }
0x2f: {  	[tilespmem:s16], [sflag:$0x3] =	stream.strided.gather [hbm4b:s13+s14], $0x1000, s15, s14, $0x200038;
	[tilespmem:$0x1F000] =	vst v63  }
0x30: {  	s18 =	simm.s32 $0xB000;
	s17 =	sadd.s32 $0x180000, s8  }
0x31: {  	[tilespmem:s18], [sflag:$0x3] =	stream.strided.gather [hbm4b:s17+s14], $0x1000, s15, s14, $0x200038;
	[tilespmem:$0x1F000] =	vst v63  }
0x32: {  	s28 =	simm.s32 $0x0;
	s29 =	simm.s32 $0x0;
	_ =	strace $0x9000004A  }
0x33: {  	s30 =	simm.s32 $0x0;
	s19 =	simm.s32 $0xC000;
	_ =	strace $0x8000004B  }
0x34: {  	[tilespmem:s19], [sflag:$0x4] =	stream.strided.gather [hbm4b:s12+s14], $0x1000, s15, s14, $0x200038;
	[tilespmem:$0x1F000] =	vst v63  }
0x35: {  	s31 =	simm.s32 $0x0;
	s20 =	sadd.s32 $0x80000, s12;
	s21 =	simm.s32 $0xD000  }
0x36: {  	[tilespmem:s21], [sflag:$0x4] =	stream.strided.gather [hbm4b:s20+s14], $0x1000, s15, s14, $0x200038;
	[tilespmem:$0x1F000] =	vst v63  }
0x37: {  	s0 =	simm.s32 $0x0;
	s22 =	sadd.s32 $0x100000, s12;
	s24 =	simm.s32 $0xE000  }
0x38: {  	[tilespmem:s24], [sflag:$0x4] =	stream.strided.gather [hbm4b:s22+s14], $0x1000, s15, s14, $0x200038;
	[tilespmem:$0x1F000] =	vst v63  }
0x39: {  	s25 =	sadd.s32 $0x180000, s12;
	s26 =	simm.s32 $0xF000;
	s5 =	simm.s32 $0x0  }
0x3a: {  	[tilespmem:s26], [sflag:$0x4] =	stream.strided.gather [hbm4b:s25+s14], $0x1000, s15, s14, $0x200038;
	[tilespmem:$0x1F000] =	vst v63  }
0x3b: {  	s25 =	simm.s32 $0x4;
	s26 =	simm.s32 $0x2;
	_ =	strace $0x9000004B  }
.LBB2_2:
0x3c: {  	s4 =	sadd.s32 $0x1, s5  }
0x3d: {  	p0 =	seq.s32 s4, $0x20  }
0x3e: {  	s4 =	simm.s32 @p0 $0x0  }
0x3f: {  	s7 =	sadd.s32 $0x1, s4  }
0x40: {  	p0 =	seq.s32 s7, $0x20  }
0x41: {  	s7 =	simm.s32 @p0 $0x0  }
0x42: {  	s8 =	sadd.s32 $0x1, s7  }
0x43: {  	p0 =	seq.s32 s8, $0x20  }
0x44: {  	s8 =	simm.s32 @p0 $0x0  }
0x45: {  	s9 =	sadd.s32 $0x1, s8  }
0x46: {  	p0 =	seq.s32 s9, $0x20  }
0x47: {  	s9 =	simm.s32 @p0 $0x0  }
0x48: {  	p1 =	slt.u32 s0, $0x1C;
	p0 =	sne.s32 s8, s9  }
0x49: {  	p0 =	por !p1, !p0  }
0x4a: {  	p1 =	por !p0, !p0  }
0x4b: {  	s8 =	smulhi.u32 @p1 $0xCCCCCCCD, s25  }
0x4c: {  	p2 =	slt.u32 s0, $0x1E;
	p6 =	sne.s32 s4, s7;
	s10 =	sadd.s32 @p1 s6, s9  }
0x4d: {  	s9 =	sshll.u32 @p1 s9, $0x9;
	s10 =	sshll.u32 @p1 s10, $0xC;
	s8 =	sshrl.u32 @p1 s8, $0x2  }
0x4e: {  	s9 =	sand.u32 @p1 $0x200, s9;
	s10 =	sand.u32 @p1 $0xFFFFE000, s10;
	s8 =	smul.u32 @p1 $0x5, s8  }
0x4f: {  	_ =	strace @p1 $0x8000004C;
	s11 =	simm.s32 @p1 $0x200;
	s9 =	sor.u32 @p1 s9, s10  }
0x50: {  	s13 =	simm.s32 @p1 $0x400;
	s9 =	sshrl.u32 @p1 s9, $0x3;
	s8 =	ssub.s32 @p1 s25, s8  }
0x51: {  	s9 =	sadd.s32 @p1 s1, s9;
	s10 =	sadd.s32 @p1 $0x1, s8;
	s8 =	sshll.u32 @p1 s8, $0xE  }
0x52: {  	[tilespmem:s8], [sflag:s10] =	stream.strided.gather @p1 [hbm4b:s9+s11], $0x1000, s13, s11, $0x200038;
	[tilespmem:$0x1F000] =	vst v63  }
0x53: {  	p0 =	por !p2, !p6;
	s16 =	sadd.s32 @p1 $0x80000, s9;
	s17 =	sor.u32 @p1 $0x1000, s8  }
0x54: {  	[tilespmem:s17], [sflag:s10] =	stream.strided.gather @p1 [hbm4b:s16+s11], $0x1000, s13, s11, $0x200038;
	[tilespmem:$0x1F000] =	vst v63  }
0x55: {  	p0 =	por !p0, !p0;
	s16 =	sadd.s32 @p1 $0x100000, s9;
	s17 =	sor.u32 @p1 $0x2000, s8  }
0x56: {  	[tilespmem:s17], [sflag:s10] =	stream.strided.gather @p1 [hbm4b:s16+s11], $0x1000, s13, s11, $0x200038;
	[tilespmem:$0x1F000] =	vst v63  }
0x57: {  	s9 =	sadd.s32 @p1 $0x180000, s9;
	s8 =	sor.u32 @p1 $0x3000, s8;
	s16 =	smulhi.u32 @p0 $0xAAAAAAAB, s26  }
0x58: {  	[tilespmem:s8], [sflag:s10] =	stream.strided.gather @p1 [hbm4b:s9+s11], $0x1000, s13, s11, $0x200038;
	[tilespmem:$0x1F000] =	vst v63  }
0x59: {  	s8 =	sshrl.u32 @p0 s16, $0x1;
	s9 =	sadd.s32 s6, s7;
	s13 =	smulhi.u32 $0xCCCCCCCD, s31  }
0x5a: {  	s7 =	sshll.u32 @p0 s7, $0x9;
	s11 =	simm.s32 @p0 $0x200;
	s8 =	smul.u32 @p0 $0x3, s8  }
0x5b: {  	_ =	strace @p1 $0x9000004C;
	s9 =	sshll.u32 @p0 s9, $0xC;
	s7 =	sand.u32 @p0 $0x200, s7  }
0x5c: {  	s9 =	sand.u32 @p0 $0xFFFFE000, s9;
	_ =	strace @p0 $0x8000004D;
	s10 =	sshrl.u32 s13, $0x2  }
0x5d: {  	s13 =	simm.s32 @p0 $0x400;
	s8 =	ssub.s32 @p0 s26, s8;
	s7 =	sor.u32 @p0 s7, s9  }
0x5e: {  	s10 =	smul.u32 $0x5, s10;
	s9 =	sshll.u32 @p0 s8, $0xC;
	s7 =	sshrl.u32 @p0 s7, $0x3  }
0x5f: {  	s8 =	sadd.s32 @p0 $0x6, s8;
	s9 =	sor.u32 @p0 $0x14000, s9;
	s7 =	sadd.s32 @p0 s2, s7  }
0x60: {  	[tilespmem:s9], [sflag:s8] =	stream.strided.gather @p0 [hbm4b:s7+s11], $0x1000, s13, s11, $0x200038;
	[tilespmem:$0x1F000] =	vst v63  }
0x61: {  	s18 =	smulhi.u32 $0xAAAAAAAB, s30;
	s16 =	ssub.s32 s31, s10;
	_ =	strace @p0 $0x9000004D  }
0x62: {  	s19 =	sadd.s32 $0x1, s16;
	_ =	strace $0x8000004E  }
0x63: {  	s8 =	sshrl.u32 s18, $0x1;
	_ =	swait.ge [sflag:s19], $0x4000  }
0x64: {  	s8 =	smul.u32 $0x3, s8;
	[sflag:s19] =	ssyncset.done $0x0  }
0x65: {  	s11 =	simm.s32 $0x1;
	[sflag:s19] =	ssyncadd.s32 $0xFFFFC000  }
0x66: {  	s7 =	sshll.u32 s16, $0xE;
	s20 =	ssub.s32 s30, s8;
	_ =	strace $0x9000004E  }
0x67: {  	s18 =	simm.s32 $0x0;
	s24 =	sadd.s32 $0x6, s20;
	_ =	strace $0x8000004F  }
0x68: {  	s11 =	simm.s32 @!p1 $0x0;
	s13 =	sor.u32 $0x2000, s7;
	_ =	swait.ge [sflag:s24], $0x1000  }
0x69: {  	s25 =	sadd.s32 s11, s25;
	s8 =	sadd.s32 s6, s5;
	[sflag:s24] =	ssyncset.done $0x0  }
0x6a: {  	s9 =	sshll.u32 s20, $0xC;
	s19 =	sand.u32 $0x1, s29;
	[sflag:s24] =	ssyncadd.s32 $0xFFFFF000  }
0x6b: {  	s16 =	sor.u32 $0x14040, s9;
	s17 =	sshll.u32 s19, $0xE;
	_ =	strace $0x9000004F  }
0x6c: {  	s21 =	sadd.s32 $0x17000, s17;
	s22 =	sor.u32 $0x19000, s17;
	_ =	strace $0x80000050  }
.LBB2_3:
0x6d: {  	v0 =	vld [tilespmem:s16+$0x30]  }
0x6e: {  	v1 =	vld [tilespmem:s13+$0xFFFFE070]  }
0x6f: {  	v2 =	vld [tilespmem:s13+$0xFFFFE000]  }
0x70: {  	v3 =	vld [tilespmem:s16+$0xFFFFFFD0]  }
0x71: {  	v4 =	vld [tilespmem:s13+$0xFFFFE010]  }
0x72: {  	v5 =	vld [tilespmem:s16+$0xFFFFFFE0]  }
0x73: {  	v6 =	vld [tilespmem:s13+$0xFFFFE020]  }
0x74: {  	v7 =	vld [tilespmem:s16+$0xFFFFFFF0]  }
0x75: {  	v8 =	vld [tilespmem:s13+$0xFFFFE030]  }
0x76: {  	v9 =	vld [tilespmem:s16+$0x0]  }
0x77: {  	v10 =	vld [tilespmem:s13+$0xFFFFE040]  }
0x78: {  	v11 =	vld [tilespmem:s16+$0x10]  }
0x79: {  	v12 =	vld [tilespmem:s13+$0xFFFFE050]  }
0x7a: {  	v13 =	vld [tilespmem:s16+$0x20];
	s9 =	sadd.s32 $0x200, s16  }
0x7b: {  	s24 =	sadd.s32 $0x200, s13;
	v18 =	vld [tilespmem:s9+$0x30]  }
0x7c: {  	v19 =	vld [tilespmem:s24+$0xFFFFE000]  }
0x7d: {  	v20 =	vld [tilespmem:s9+$0xFFFFFFD0];
	v1 =	vadd.f32 v1, v0  }
0x7e: {  	v21 =	vld [tilespmem:s24+$0xFFFFE010]  }
0x7f: {  	[tilespmem:s22+$0xFFFFE070] =	vst v1;
	v1 =	vadd.f32 v4, v3;
	v4 =	vld [tilespmem:s13+$0xFFFFE060]  }
0x80: {  	v15 =	vadd.f32 v6, v5;
	v14 =	vld [tilespmem:s13+$0xFFFFF070]  }
0x81: {  	v6 =	vld [tilespmem:s16+$0xFFFFFFC0];
	[tilespmem:s22+$0xFFFFE010] =	vst v1;
	v1 =	vadd.f32 v8, v7  }
0x82: {  	[tilespmem:s22+$0xFFFFE020] =	vst v15;
	v8 =	vadd.f32 v10, v9;
	v10 =	vld [tilespmem:s13+$0xFFFFF010]  }
0x83: {  	[tilespmem:s22+$0xFFFFE030] =	vst v1;
	v1 =	vadd.f32 v12, v11;
	v12 =	vld [tilespmem:s13+$0xFFFFF020]  }
0x84: {  	[tilespmem:s22+$0xFFFFE040] =	vst v8;
	v8 =	vld [tilespmem:s13+$0xFFFFF030];
	v4 =	vadd.f32 v4, v13  }
0x85: {  	v14 =	vadd.f32 v14, v0;
	[tilespmem:s22+$0xFFFFE050] =	vst v1;
	v1 =	vld [tilespmem:s13+$0xFFFFF040]  }
0x86: {  	v2 =	vadd.f32 v2, v6;
	v15 =	vld [tilespmem:s13+$0xFFFFF050];
	[tilespmem:s22+$0xFFFFE060] =	vst v4  }
0x87: {  	[tilespmem:s22+$0xFFFFF070] =	vst v14;
	v4 =	vadd.f32 v10, v3;
	v10 =	vld [tilespmem:s13+$0xFFFFF060]  }
0x88: {  	[tilespmem:s22+$0xFFFFE000] =	vst v2;
	v14 =	vld [tilespmem:s13+$0x70];
	v2 =	vadd.f32 v12, v5  }
0x89: {  	v12 =	vld [tilespmem:s13+$0xFFFFF000];
	[tilespmem:s22+$0xFFFFF010] =	vst v4;
	v4 =	vadd.f32 v8, v7  }
0x8a: {  	v8 =	vld [tilespmem:s13+$0x10];
	[tilespmem:s22+$0xFFFFF020] =	vst v2;
	v1 =	vadd.f32 v1, v9  }
0x8b: {  	v2 =	vld [tilespmem:s13+$0x20];
	[tilespmem:s22+$0xFFFFF030] =	vst v4;
	v4 =	vadd.f32 v15, v11  }
0x8c: {  	v15 =	vld [tilespmem:s13+$0x30];
	[tilespmem:s22+$0xFFFFF040] =	vst v1;
	v1 =	vadd.f32 v10, v13  }
0x8d: {  	v10 =	vadd.f32 v14, v0;
	v14 =	vld [tilespmem:s13+$0x40];
	[tilespmem:s22+$0xFFFFF050] =	vst v4  }
0x8e: {  	v4 =	vadd.f32 v12, v6;
	v12 =	vld [tilespmem:s13+$0x50];
	[tilespmem:s22+$0xFFFFF060] =	vst v1  }
0x8f: {  	[tilespmem:s22+$0x70] =	vst v10;
	v1 =	vadd.f32 v8, v3;
	v8 =	vld [tilespmem:s13+$0x60]  }
0x90: {  	[tilespmem:s22+$0xFFFFF000] =	vst v4;
	v10 =	vld [tilespmem:s13+$0x1070];
	v2 =	vadd.f32 v2, v5  }
0x91: {  	v4 =	vld [tilespmem:s13+$0x0];
	[tilespmem:s22+$0x10] =	vst v1;
	v1 =	vadd.f32 v15, v7  }
0x92: {  	v15 =	vld [tilespmem:s13+$0x1010];
	[tilespmem:s22+$0x20] =	vst v2;
	v2 =	vadd.f32 v14, v9  }
0x93: {  	v14 =	vld [tilespmem:s13+$0x1020];
	[tilespmem:s22+$0x30] =	vst v1  }
0x94: {  	v1 =	vadd.f32 v12, v11;
	v12 =	vld [tilespmem:s13+$0x1030];
	[tilespmem:s22+$0x40] =	vst v2  }
0x95: {  	v2 =	vadd.f32 v8, v13;
	v8 =	vld [tilespmem:s13+$0x1040]  }
0x96: {  	[tilespmem:s22+$0x50] =	vst v1;
	v1 =	vld [tilespmem:s9+$0xFFFFFFE0]  }
0x97: {  	[tilespmem:s22+$0x60] =	vst v2;
	v2 =	vld [tilespmem:s24+$0xFFFFE070]  }
0x98: {  	v0 =	vadd.f32 v10, v0;
	v10 =	vld [tilespmem:s24+$0xFFFFE020]  }
0x99: {  	v16 =	vld [tilespmem:s13+$0x1050]  }
0x9a: {  	v17 =	vld [tilespmem:s13+$0x1060];
	v3 =	vadd.f32 v15, v3  }
0x9b: {  	[tilespmem:s22+$0x1070] =	vst v0;
	v0 =	vadd.f32 v4, v6;
	v15 =	vld [tilespmem:s24+$0xFFFFE030]  }
0x9c: {  	[tilespmem:s22+$0x1010] =	vst v3;
	v3 =	vld [tilespmem:s9+$0x0];
	v22 =	vadd.f32 v2, v18  }
0x9d: {  	s20 =	sadd.s32 $0x200, s22;
	[tilespmem:s22+$0x0] =	vst v0;
	v0 =	vadd.f32 v14, v5;
	v4 =	vadd.f32 v12, v7;
	v7 =	vld [tilespmem:s24+$0xFFFFE040]  }
0x9e: {  	v12 =	vld [tilespmem:s24+$0xFFFFE060];
	[tilespmem:s20+$0xFFFFE070] =	vst v22  }
0x9f: {  	v10 =	vadd.f32 v10, v1;
	[tilespmem:s22+$0x1020] =	vst v0;
	v14 =	vld [tilespmem:s24+$0xFFFFF070]  }
0xa0: {  	v2 =	vld [tilespmem:s9+$0xFFFFFFF0];
	v0 =	vadd.f32 v8, v9;
	[tilespmem:s22+$0x1030] =	vst v4  }
0xa1: {  	v5 =	vadd.f32 v16, v11;
	v4 =	vld [tilespmem:s9+$0x10];
	[tilespmem:s20+$0xFFFFE020] =	vst v10  }
0xa2: {  	v8 =	vld [tilespmem:s24+$0xFFFFE050];
	[tilespmem:s22+$0x1040] =	vst v0;
	v0 =	vadd.f32 v17, v13  }
0xa3: {  	v11 =	vadd.f32 v21, v20;
	[tilespmem:s22+$0x1050] =	vst v5;
	v5 =	vld [tilespmem:s9+$0x20]  }
0xa4: {  	[tilespmem:s22+$0x1060] =	vst v0;
	v0 =	vld [tilespmem:s9+$0xFFFFFFC0];
	v9 =	vadd.f32 v14, v18  }
0xa5: {  	[tilespmem:s20+$0xFFFFE010] =	vst v11;
	v7 =	vadd.f32 v7, v3  }
0xa6: {  	v10 =	vld [tilespmem:s24+$0xFFFFF010];
	[tilespmem:s20+$0xFFFFF070] =	vst v9;
	v9 =	vadd.f32 v15, v2  }
0xa7: {  	v8 =	vadd.f32 v8, v4;
	[tilespmem:s20+$0xFFFFE040] =	vst v7;
	v11 =	vld [tilespmem:s24+$0x70]  }
0xa8: {  	v12 =	vadd.f32 v12, v5;
	[tilespmem:s20+$0xFFFFE030] =	vst v9;
	v9 =	vld [tilespmem:s24+$0xFFFFF020]  }
0xa9: {  	[tilespmem:s20+$0xFFFFE050] =	vst v8;
	v8 =	vadd.f32 v19, v0;
	v7 =	vld [tilespmem:s24+$0xFFFFF030]  }
0xaa: {  	v13 =	vld [tilespmem:s24+$0xFFFFF040];
	[tilespmem:s20+$0xFFFFE060] =	vst v12  }
0xab: {  	v14 =	vld [tilespmem:s24+$0xFFFFF050];
	[tilespmem:s20+$0xFFFFE000] =	vst v8;
	v8 =	vadd.f32 v10, v20  }
0xac: {  	v10 =	vld [tilespmem:s24+$0xFFFFF060];
	v11 =	vadd.f32 v11, v18  }
0xad: {  	v12 =	vld [tilespmem:s24+$0xFFFFF000];
	[tilespmem:s20+$0xFFFFF010] =	vst v8;
	v9 =	vadd.f32 v9, v1  }
0xae: {  	[tilespmem:s20+$0x70] =	vst v11;
	v7 =	vadd.f32 v7, v2;
	v11 =	vld [tilespmem:s24+$0x10]  }
0xaf: {  	v8 =	vld [tilespmem:s24+$0x1070];
	[tilespmem:s20+$0xFFFFF020] =	vst v9;
	v9 =	vadd.f32 v13, v3  }
0xb0: {  	v13 =	vld [tilespmem:s24+$0x20];
	[tilespmem:s20+$0xFFFFF030] =	vst v7;
	v7 =	vadd.f32 v14, v4  }
0xb1: {  	v14 =	vld [tilespmem:s24+$0x30];
	[tilespmem:s20+$0xFFFFF040] =	vst v9;
	v9 =	vadd.f32 v10, v5  }
0xb2: {  	v10 =	vadd.f32 v12, v0;
	v12 =	vld [tilespmem:s24+$0x40];
	[tilespmem:s20+$0xFFFFF050] =	vst v7  }
0xb3: {  	v7 =	vld [tilespmem:s24+$0x50];
	[tilespmem:s20+$0xFFFFF060] =	vst v9;
	v9 =	vadd.f32 v11, v20  }
0xb4: {  	[tilespmem:s20+$0xFFFFF000] =	vst v10;
	v8 =	vadd.f32 v8, v18;
	v11 =	vld [tilespmem:s24+$0x60]  }
0xb5: {  	v15 =	vld [tilespmem:s24+$0x0];
	v10 =	vadd.f32 v13, v1;
	[tilespmem:s20+$0x10] =	vst v9  }
0xb6: {  	v13 =	vld [tilespmem:s13+$0x1000];
	[tilespmem:s20+$0x1070] =	vst v8;
	v8 =	vadd.f32 v14, v2  }
0xb7: {  	v14 =	vld [tilespmem:s24+$0x1010];
	[tilespmem:s20+$0x20] =	vst v10;
	v9 =	vadd.f32 v12, v3  }
0xb8: {  	v10 =	vld [tilespmem:s24+$0x1020];
	[tilespmem:s20+$0x30] =	vst v8;
	v8 =	vadd.f32 v7, v4  }
0xb9: {  	v7 =	vld [tilespmem:s24+$0x1030];
	[tilespmem:s20+$0x40] =	vst v9;
	v11 =	vadd.f32 v11, v5  }
0xba: {  	v15 =	vadd.f32 v15, v0;
	v9 =	vld [tilespmem:s24+$0x1040];
	[tilespmem:s20+$0x50] =	vst v8  }
0xbb: {  	s7 =	simm.s32 $0x80;
	v12 =	vadd.f32 v13, v6;
	v8 =	vld [tilespmem:s24+$0x1050];
	[tilespmem:s20+$0x60] =	vst v11  }
0xbc: {  	s10 =	smov.u32 s22;
	s11 =	sadd.s32 $0x200, s9;
	s9 =	smov.u32 s24;
	[tilespmem:s20+$0x0] =	vst v15;
	v6 =	vadd.f32 v14, v20;
	v11 =	vld [tilespmem:s24+$0x1060]  }
.LBB2_4:
0xbd: {  	v13 =	vld [tilespmem:s11+$0x30];
	v1 =	vadd.f32 v10, v1;
	s24 =	sadd.s32 $0x200, s24;
	[tilespmem:s10+$0x1000] =	vst v12;
	s10 =	smov.u32 s20  }
0xbe: {  	s7 =	sadd.s32 $0x80, s7;
	v10 =	vld [tilespmem:s24+$0xFFFFE070];
	[tilespmem:s20+$0x1010] =	vst v6;
	v2 =	vadd.f32 v7, v2  }
0xbf: {  	p1 =	slt.u32 s7, $0x380;
	v7 =	vld [tilespmem:s24+$0xFFFFE000];
	[tilespmem:s20+$0x1020] =	vst v1;
	v1 =	vadd.f32 v9, v3  }
0xc0: {  	v6 =	vld [tilespmem:s11+$0xFFFFFFD0];
	[tilespmem:s20+$0x1030] =	vst v2;
	v2 =	vadd.f32 v8, v4  }
0xc1: {  	v3 =	vld [tilespmem:s24+$0xFFFFE010];
	[tilespmem:s20+$0x1040] =	vst v1;
	v4 =	vadd.f32 v11, v5  }
0xc2: {  	v1 =	vld [tilespmem:s11+$0xFFFFFFE0];
	[tilespmem:s20+$0x1050] =	vst v2  }
0xc3: {  	v5 =	vld [tilespmem:s24+$0xFFFFE020];
	v8 =	vadd.f32 v10, v13;
	[tilespmem:s20+$0x1060] =	vst v4  }
0xc4: {  	s20 =	sadd.s32 $0x200, s20;
	v2 =	vld [tilespmem:s11+$0xFFFFFFF0]  }
0xc5: {  	v9 =	vld [tilespmem:s24+$0xFFFFE030];
	[tilespmem:s20+$0xFFFFE070] =	vst v8  }
0xc6: {  	v4 =	vadd.f32 v3, v6;
	v8 =	vld [tilespmem:s24+$0xFFFFF070]  }
0xc7: {  	v3 =	vld [tilespmem:s11+$0x0]  }
0xc8: {  	[tilespmem:s20+$0xFFFFE010] =	vst v4;
	v5 =	vadd.f32 v5, v1;
	v10 =	vld [tilespmem:s24+$0xFFFFE040]  }
0xc9: {  	v4 =	vld [tilespmem:s11+$0x10]  }
0xca: {  	[tilespmem:s20+$0xFFFFE020] =	vst v5;
	v9 =	vadd.f32 v9, v2;
	v11 =	vld [tilespmem:s24+$0xFFFFE050]  }
0xcb: {  	v5 =	vld [tilespmem:s11+$0x20];
	v8 =	vadd.f32 v8, v13  }
0xcc: {  	[tilespmem:s20+$0xFFFFE030] =	vst v9;
	v9 =	vld [tilespmem:s24+$0xFFFFE060]  }
0xcd: {  	v14 =	vld [tilespmem:s11+$0xFFFFFFC0];
	v10 =	vadd.f32 v10, v3;
	[tilespmem:s20+$0xFFFFF070] =	vst v8  }
0xce: {  	v8 =	vld [tilespmem:s24+$0x70]  }
0xcf: {  	v12 =	vld [tilespmem:s24+$0xFFFFF010];
	[tilespmem:s20+$0xFFFFE040] =	vst v10;
	v10 =	vadd.f32 v11, v4  }
0xd0: {  	v11 =	vld [tilespmem:s24+$0xFFFFF020]  }
0xd1: {  	v15 =	vld [tilespmem:s24+$0xFFFFF030];
	[tilespmem:s20+$0xFFFFE050] =	vst v10;
	v9 =	vadd.f32 v9, v5  }
0xd2: {  	v7 =	vadd.f32 v7, v14;
	v10 =	vld [tilespmem:s24+$0xFFFFF040]  }
0xd3: {  	v16 =	vld [tilespmem:s24+$0xFFFFF050];
	[tilespmem:s20+$0xFFFFE060] =	vst v9;
	v8 =	vadd.f32 v8, v13  }
0xd4: {  	[tilespmem:s20+$0xFFFFE000] =	vst v7;
	v7 =	vadd.f32 v12, v6;
	v9 =	vld [tilespmem:s24+$0xFFFFF060]  }
0xd5: {  	v12 =	vld [tilespmem:s24+$0xFFFFF000];
	v11 =	vadd.f32 v11, v1;
	[tilespmem:s20+$0x70] =	vst v8  }
0xd6: {  	[tilespmem:s20+$0xFFFFF010] =	vst v7;
	v7 =	vadd.f32 v15, v2;
	v8 =	vld [tilespmem:s24+$0x1070]  }
0xd7: {  	v15 =	vld [tilespmem:s24+$0x10];
	[tilespmem:s20+$0xFFFFF020] =	vst v11;
	v10 =	vadd.f32 v10, v3  }
0xd8: {  	v11 =	vld [tilespmem:s24+$0x20];
	[tilespmem:s20+$0xFFFFF030] =	vst v7;
	v7 =	vadd.f32 v16, v4  }
0xd9: {  	v16 =	vld [tilespmem:s24+$0x30];
	[tilespmem:s20+$0xFFFFF040] =	vst v10;
	v9 =	vadd.f32 v9, v5  }
0xda: {  	v10 =	vadd.f32 v12, v14;
	v12 =	vld [tilespmem:s24+$0x40];
	[tilespmem:s20+$0xFFFFF050] =	vst v7  }
0xdb: {  	v7 =	vld [tilespmem:s24+$0x50];
	[tilespmem:s20+$0xFFFFF060] =	vst v9;
	v8 =	vadd.f32 v8, v13  }
0xdc: {  	[tilespmem:s20+$0xFFFFF000] =	vst v10;
	v9 =	vadd.f32 v15, v6;
	v13 =	vld [tilespmem:s24+$0x60]  }
0xdd: {  	v15 =	vld [tilespmem:s24+$0x0];
	v10 =	vadd.f32 v11, v1;
	[tilespmem:s20+$0x1070] =	vst v8  }
0xde: {  	[tilespmem:s20+$0x10] =	vst v9;
	v8 =	vadd.f32 v16, v2;
	v11 =	vld [tilespmem:s9+$0x1000];
	s9 =	smov.u32 s24  }
0xdf: {  	v16 =	vld [tilespmem:s24+$0x1010];
	[tilespmem:s20+$0x20] =	vst v10;
	v9 =	vadd.f32 v12, v3  }
.Ltmp0:
0xe0: {  	v10 =	vld [tilespmem:s24+$0x1020];
	[tilespmem:s20+$0x30] =	vst v8;
	v8 =	vadd.f32 v7, v4;
	(pc) =	sbr.rel @p1 .LBB2_4-.Ltmp0, $4  }
0xe1: {  	v7 =	vld [tilespmem:s24+$0x1030];
	[tilespmem:s20+$0x40] =	vst v9;
	v12 =	vadd.f32 v13, v5  }
0xe2: {  	v13 =	vadd.f32 v15, v14;
	v9 =	vld [tilespmem:s24+$0x1040];
	[tilespmem:s20+$0x50] =	vst v8  }
0xe3: {  	v8 =	vld [tilespmem:s24+$0x1050];
	[tilespmem:s20+$0x60] =	vst v12;
	v12 =	vadd.f32 v11, v0;
	v0 =	vmov v14  }
0xe4: {  	s11 =	sadd.s32 $0x200, s11;
	[tilespmem:s20+$0x0] =	vst v13;
	v6 =	vadd.f32 v16, v6;
	v11 =	vld [tilespmem:s24+$0x1060]  }
0xe5: {  	v1 =	vadd.f32 v10, v1;
	[tilespmem:s10+$0x1000] =	vst v12;
	v60 =	vld [tilespmem:s9+$0x1000]  }
0xe6: {  	s18 =	sadd.s32 $0x1, s18;
	[tilespmem:s20+$0x1010] =	vst v6;
	v2 =	vadd.f32 v7, v2  }
0xe7: {  	p1 =	sne.s32 s18, $0x4;
	[tilespmem:s20+$0x1020] =	vst v1;
	v61 =	vadd.f32 v9, v3  }
.Ltmp1:
0xe8: {  	[tilespmem:s20+$0x1030] =	vst v2;
	v62 =	vadd.f32 v8, v4;
	(pc) =	sbr.rel @p1 .LBB2_3-.Ltmp1, $4  }
0xe9: {  	[tilespmem:s20+$0x1040] =	vst v61;
	v63 =	vadd.f32 v11, v5  }
0xea: {  	[tilespmem:s20+$0x1050] =	vst v62;
	v0 =	vadd.f32 v60, v0  }
0xeb: {  	[tilespmem:s20+$0x1060] =	vst v63  }
0xec: {  	s22 =	sadd.s32 $0x80, s22;
	s13 =	sadd.s32 $0x80, s13;
	s16 =	sadd.s32 $0x80, s16;
	[tilespmem:s20+$0x1000] =	vst v0  }
0xed: {  	p1 =	seq.s32 s0, $0x1F;
	p2 =	sne.s32 s5, s4  }
0xee: {  	p1 =	por p1, p2  }
0xef: {  	s7 =	sshll.u32 @p1 s8, $0xC;
	s5 =	sshll.u32 @p1 s5, $0x9  }
0xf0: {  	s7 =	sand.u32 @p1 $0xFFFFE000, s7;
	s5 =	sand.u32 @p1 $0x200, s5  }
0xf1: {  	_ =	strace $0x90000050;
	s5 =	sor.u32 @p1 s5, s7  }
0xf2: {  	_ =	strace @p1 $0x80000051;
	s8 =	simm.s32 @p1 $0x200;
	s5 =	sshrl.u32 @p1 s5, $0x3  }
0xf3: {  	s9 =	simm.s32 @p1 $0x400;
	s7 =	sadd.s32 @p1 $0x9, s19;
	s5 =	sadd.s32 @p1 s3, s5  }
0xf4: {  	[hbm4b:s5+s8] =	stream.strided.scatter @p1 [tilespmem:s21], [sflag:s7], $0x1000, s9, s8, $0x200038;
	[tilespmem:$0x1F000] =	vst v63  }
0xf5: {  	s10 =	sor.u32 @p1 $0x18000, s17;
	s11 =	sadd.s32 @p1 $0x80000, s5  }
0xf6: {  	[hbm4b:s11+s8] =	stream.strided.scatter @p1 [tilespmem:s10], [sflag:s7], $0x1000, s9, s8, $0x200038;
	[tilespmem:$0x1F000] =	vst v63  }
0xf7: {  	s10 =	sadd.s32 @p1 $0x19000, s17;
	s11 =	sadd.s32 @p1 $0x100000, s5  }
0xf8: {  	[hbm4b:s11+s8] =	stream.strided.scatter @p1 [tilespmem:s10], [sflag:s7], $0x1000, s9, s8, $0x200038;
	[tilespmem:$0x1F000] =	vst v63  }
0xf9: {  	p2 =	seq.s32 s0, $0x0;
	s5 =	sadd.s32 @p1 $0x180000, s5;
	s10 =	sadd.s32 @p1 $0x1A000, s17  }
0xfa: {  	[hbm4b:s5+s8] =	stream.strided.scatter @p1 [tilespmem:s10], [sflag:s7], $0x1000, s9, s8, $0x200038;
	[tilespmem:$0x1F000] =	vst v63  }
0xfb: {  	s5 =	simm.s32 $0x1;
	s7 =	sand.u32 @!p2 $0x1, s28  }
0xfc: {  	s8 =	simm.s32 $0x1;
	s5 =	simm.s32 @!p0 $0x0;
	p0 =	sne.s32 s0, $0x0  }
0xfd: {  	s0 =	sadd.s32 $0x1, s0;
	s26 =	sadd.s32 s5, s26;
	s5 =	simm.s32 $0x1  }
0xfe: {  	_ =	strace @p1 $0x90000051;
	s5 =	simm.s32 @!p0 $0x0;
	p0 =	sne.s32 s0, $0x20  }
.Ltmp2:
0xff: {  	s7 =	sadd.s32 @!p2 $0x9, s7;
	_ =	strace @!p2 $0x80000052;
	(pc) =	sbr.rel @p0 .LBB2_2-.Ltmp2, $4  }
0x100: {  	s8 =	simm.s32 @!p1 $0x0;
	_ =	swait.ge @!p2 [sflag:s7], $0x4000  }
0x101: {  	s29 =	sadd.s32 s8, s29;
	[sflag:s7] =	ssyncset.done @!p2 $0x0  }
0x102: {  	s31 =	sadd.s32 s8, s31;
	s30 =	sadd.s32 s8, s30;
	[sflag:s7] =	ssyncadd.s32 @!p2 $0xFFFFC000  }
0x103: {  	s28 =	sadd.s32 s5, s28;
	s5 =	smov.u32 s4;
	_ =	strace @!p2 $0x90000052  }
0x104: {  	_ =	strace $0x80000053;
	s0 =	simm.s32 $0xA  }
0x105: {  	_ =	swait.ge [sflag:s0], $0x4000  }
0x106: {  	s23 =	sadd.s32 $0x1, s23;
	s31 =	rddreg [dreg:$0x9]  }
0x107: {  	p0 =	sne.s32 s23, s31  }
.Ltmp3:
0x108: {  	_ = 	snop;
	(pc) =	sbr.rel @p0 .LBB2_1-.Ltmp3, $4  }
0x109: {  	_ = 	snop  }
0x10a: {  	[sflag:s0] =	ssyncset.done $0x0  }
0x10b: {  	[sflag:s0] =	ssyncadd.s32 $0xFFFFC000  }
0x10c: {  	_ =	strace $0x90000053  }
0x10d: {  	_ =	sfence.sel $0x180000  }
0x10e: {  	[bflag:$0x0] =	sbarrier.arrive $0xFFFF  }
0x10f: {  	_ =	strace $0x90000047  }
0x110: {  	s0 =	stileid.u32;
	[bflag:$0x2] =	sbarrier.arrive $0xFFFF  }
0x111: {  	p0 =	sne.s32 s0, $0x0;
	s0 =	rddreg [dreg:$0x3]  }
0x112: {  	s0 =	sadd.s32 @!p0 $0x100000, s0  }
0x113: {  	[sflag:s0] =	ssyncadd.tile.s32 @!p0 $0x1;
	_ =	shalt  }
.Lfunc_end2:
_tile_overlayer_lowered:
.L_overlay_start_2:
0x114: {  	(tag) =	ssettag $0x2  }
0x115: {  	s0 =	rddreg [dreg:$0x0];
	s2 =	stileid.u32  }
0x116: {  	s1 =	rddreg [dreg:$0x1];
	p0 =	sne.s32 s2, $0x0  }
0x117: {  	s3 =	rddreg [dreg:$0x2];
	[bflag:$0x3] =	sbarrier.arrive $0xFFFF;
	s2 =	simm.s32 @!p0 $0x1C01  }
0x118: {  	[timem:s3], [sflag:s2] =	dma.local @!p0 [hbm:s0], s1  }
0x119: {  	s0 =	simm.s32 @!p0 $0x1  }
0x11a: {  	_ =	swait.ge @!p0 [sflag:s0], s1  }
0x11b: {  	s1 =	ssub.s32 @!p0 $0x0, s1;
	[sflag:s0] =	ssyncset.done @!p0 $0x0  }
0x11c: {  	[sflag:s0] =	ssyncadd.s32 @!p0 s1  }
0x11d: {  	[bflag:$0x3] =	sbarrier.arrive $0xFFFF  }
0x11e: {  	_ =	shalt  }

</sc_bundles>
